<compile_context>
chip_gen: v7x
topology: tpu7x:2x2x1
jax: 0.10.2.dev20260603
libtpu: 0.0.44.dev20260713+nightly
codegen_flags: <defaults>
</compile_context>

<pallas_src>
import functools
import math

import jax
import jax.numpy as jnp
from jax import lax
from jax.experimental import pallas as pl
from jax.experimental.pallas import tpu as pltpu
from jax.experimental.pallas import tpu_sc as plsc

D_MODEL = 64
SCALE = math.sqrt(D_MODEL)

NUM_WORKERS = 32
CHUNK = 320
NBUF = 4
PREF = 2


def _sc_lookup(x_flat, table, batch):
    b_per_w = batch // NUM_WORKERS
    n_chunks = b_per_w // CHUNK
    n_rounds = n_chunks // NBUF
    mesh = plsc.VectorSubcoreMesh(core_axis_name="c", subcore_axis_name="s")

    @functools.partial(
        pl.kernel,
        mesh=mesh,
        out_type=jax.ShapeDtypeStruct((batch, D_MODEL), jnp.float32),
        scratch_types=[
            pltpu.VMEM((b_per_w,), jnp.int32),
            pltpu.VMEM((NBUF, CHUNK, D_MODEL), jnp.float32),
            pltpu.SemaphoreType.DMA((NBUF,)),
            pltpu.SemaphoreType.DMA((NBUF,)),
        ],
        compiler_params=pltpu.CompilerParams(use_tc_tiling_on_sc=False),
    )
    def k(x_hbm, t_hbm, out_hbm, idx_all, rows, gsem, osem):
        cid = lax.axis_index("c")
        sid = lax.axis_index("s")
        wid = sid * 2 + cid
        base = wid * b_per_w

        pltpu.sync_copy(x_hbm.at[pl.ds(base, b_per_w)], idx_all)

        def gather_start(chunk, buf):
            pltpu.async_copy(
                t_hbm.at[idx_all.at[pl.ds(chunk * CHUNK, CHUNK)]],
                rows.at[buf],
                gsem.at[buf],
            )

        def gather_wait(chunk, buf):
            pltpu.make_async_copy(
                t_hbm.at[idx_all.at[pl.ds(chunk * CHUNK, CHUNK)]],
                rows.at[buf],
                gsem.at[buf],
            ).wait()

        def out_start(chunk, buf):
            pltpu.async_copy(
                rows.at[buf],
                out_hbm.at[pl.ds(base + chunk * CHUNK, CHUNK)],
                osem.at[buf],
            )

        def out_wait(buf):
            pltpu.make_async_copy(
                rows.at[buf], out_hbm.at[pl.ds(0, CHUNK)], osem.at[buf]
            ).wait()

        def scale_buf(buf):
            def scale_rows(r, c):
                for u in range(2):
                    for j in range(D_MODEL // 16):
                        sl = pl.ds(j * 16, 16)
                        rows[buf, r * 2 + u, sl] = rows[buf, r * 2 + u, sl] * SCALE
                return c

            lax.fori_loop(0, CHUNK // 2, scale_rows, 0)

        for i in range(PREF):
            gather_start(i, i)

        def round_body(rnd, carry):
            for b in range(NBUF):
                chunk = rnd * NBUF + b
                gather_wait(chunk, b)
                scale_buf(b)
                out_start(chunk, b)
                gb = (b + PREF) % NBUF

                @pl.when(chunk + PREF >= NBUF)
                def _():
                    out_wait(gb)

                @pl.when(chunk + PREF < n_chunks)
                def _():
                    gather_start(chunk + PREF, gb)

            return carry

        lax.fori_loop(0, n_rounds, round_body, 0)
        for i in range(PREF):
            out_wait((n_chunks - PREF + i) % NBUF)

    return k(x_flat, table)


@functools.partial(jax.jit, static_argnames=("batch",))
def _embed_lookup(x_flat, table, batch):
    return _sc_lookup(x_flat, table, batch)


def kernel(x, table):
    batch = x.size
    out = _embed_lookup(x.reshape(-1).astype(jnp.int32), table, batch)
    return out.reshape(x.shape + (D_MODEL,))

# --- scband reference (transcript-rebuilt; emitter-appended) ---
"""Pipeline reference for scband-embeddings-2937757630828 (READ-ONLY COPY).

The authoritative reference and input builder live on the scoring server;
editing this copy changes nothing except your own understanding.
"""

import jax, jax.numpy as jnp
import numpy as np
import math

D_MODEL = 64
N_VOCAB = 1000000

def setup_inputs(seed: int = 0) -> dict:
    key = jax.random.key(seed)
    k1, k2 = jax.random.split(key)
    x = jax.random.randint(k1, (16384, 50), 0, N_VOCAB, dtype=jnp.int64 if jax.config.jax_enable_x64 else jnp.int32)
    table = jax.random.normal(k2, (N_VOCAB, D_MODEL), dtype=jnp.float32)
    return {"x": x, "table": table}

def reference(x, table):
    # Embeddings.forward: lookup_table(x) * sqrt(d_model)
    emb = jnp.take(table, x, axis=0)
    return emb * math.sqrt(D_MODEL)

if __name__ == "__main__":
    import jax
    _d = setup_inputs()
    print(jax.jit(kernel)(*tuple(_d.values())))

</pallas_src>

<mosaic_0001>
#map = affine_map<(d0, d1) -> (0)>
#map1 = affine_map<(d0, d1) -> (0, 0)>
module attributes {stable_mosaic.version = 14 : i64} {
  func.func @k(%arg0: i32, %arg1: i32, %arg2: memref<819200xi32, #tpu.memory_space<hbm>>, %arg3: memref<1000000x64xf32, #tpu.memory_space<hbm>>, %arg4: memref<819200x64xf32, #tpu.memory_space<hbm>>, %arg5: memref<25600xi32, #tpu.memory_space<vmem>>, %arg6: memref<4x320x64xf32, #tpu.memory_space<vmem>>, %arg7: memref<4x!tpu.dma_semaphore, #tpu.memory_space<semaphore_mem>>, %arg8: memref<4x!tpu.dma_semaphore, #tpu.memory_space<semaphore_mem>>) attributes {dimension_semantics = [#tpu.dimension_semantics<core_parallel>, #tpu.dimension_semantics<subcore_parallel>], iteration_bounds = array<i64: 2, 16>, scalar_prefetch = 0 : i64, scratch_operands = 4 : i64, tpu.core_type = #tpu.core_type<sc_vector_subcore>, window_params = [{transform_indices = #map}, {transform_indices = #map1}, {transform_indices = #map1}]} {
    %mul3A = arith.constant 2 : i32
    %mul3A_0 = arith.muli %arg1, %mul3A : i32
    %add3A = arith.addi %mul3A_0, %arg0 : i32
    %mul3A_1 = arith.constant 25600 : i32
    %mul3A_2 = arith.muli %add3A, %mul3A_1 : i32
    "tpu.region"() ({
      %run_scoped3A = tpu.sem_alloc : memref<!tpu.dma_semaphore, #tpu.memory_space<semaphore_mem>>
      %dma_start3A_68 = tpu.memref_slice %arg2[%mul3A_2] : memref<819200xi32, #tpu.memory_space<hbm>> -> memref<25600xi32, #tpu.memory_space<hbm>>
      %dma_start3A_69 = tpu.memref_slice %arg2[%mul3A_2] : memref<819200xi32, #tpu.memory_space<hbm>> -> memref<25600xi32, #tpu.memory_space<hbm>>
      tpu.enqueue_dma source(%dma_start3A_69 : memref<25600xi32, #tpu.memory_space<hbm>>) target(%arg5 : memref<25600xi32, #tpu.memory_space<vmem>>) target_semaphore(%run_scoped3A : memref<!tpu.dma_semaphore, #tpu.memory_space<semaphore_mem>>)
      %dma_wait3A_70 = tpu.memref_slice %arg2[%mul3A_2] : memref<819200xi32, #tpu.memory_space<hbm>> -> memref<25600xi32, #tpu.memory_space<hbm>>
      %dma_wait3A_71 = tpu.memref_slice %arg2[%mul3A_2] : memref<819200xi32, #tpu.memory_space<hbm>> -> memref<25600xi32, #tpu.memory_space<hbm>>
      tpu.wait_dma2 semaphore(%run_scoped3A : memref<!tpu.dma_semaphore, #tpu.memory_space<semaphore_mem>>) src(%dma_wait3A_71 : memref<25600xi32, #tpu.memory_space<hbm>>) dst(%arg5 : memref<25600xi32, #tpu.memory_space<vmem>>)
      tpu.yield
    }) : () -> ()
    %dma_start3A = arith.constant 0 : i32
    %dma_start3A_3 = arith.constant 0 : i32
    %dma_start3A_4 = arith.constant 0 : i32
    %dma_start3A_5 = arith.constant 0 : i32
    %dma_start3A_6 = tpu.memref_slice %arg6[%dma_start3A, %dma_start3A_4, %dma_start3A_5] : memref<4x320x64xf32, #tpu.memory_space<vmem>> -> memref<1x320x64xf32, #tpu.memory_space<vmem>>
    %dma_start3A_7 = tpu.memref_squeeze %dma_start3A_6 : memref<1x320x64xf32, #tpu.memory_space<vmem>> -> memref<320x64xf32, #tpu.memory_space<vmem>>
    %dma_start3A_8 = arith.constant 0 : i32
    %dma_start3A_9 = tpu.memref_slice %arg5[%dma_start3A_8] : memref<25600xi32, #tpu.memory_space<vmem>> -> memref<320xi32, #tpu.memory_space<vmem>>
    %dma_start3A_10 = arith.constant 0 : i32
    %dma_start3A_11 = arith.constant 0 : i32
    %dma_start3A_12 = tpu.memref_slice %arg3[%dma_start3A_10, %dma_start3A_11] : memref<1000000x64xf32, #tpu.memory_space<hbm>> -> memref<1000000x64xf32, #tpu.memory_space<hbm>>
    %dma_start3A_13 = tpu.memref_slice %arg7[%dma_start3A_3] : memref<4x!tpu.dma_semaphore, #tpu.memory_space<semaphore_mem>> -> memref<1x!tpu.dma_semaphore, #tpu.memory_space<semaphore_mem>>
    %dma_start3A_14 = tpu.memref_squeeze %dma_start3A_13 : memref<1x!tpu.dma_semaphore, #tpu.memory_space<semaphore_mem>> -> memref<!tpu.dma_semaphore, #tpu.memory_space<semaphore_mem>>
    tpu.enqueue_indirect_dma source(%dma_start3A_12 : memref<1000000x64xf32, #tpu.memory_space<hbm>>) target(%dma_start3A_7 : memref<320x64xf32, #tpu.memory_space<vmem>>) offsets(%dma_start3A_9 : memref<320xi32, #tpu.memory_space<vmem>>) semaphore(%dma_start3A_14 : memref<!tpu.dma_semaphore, #tpu.memory_space<semaphore_mem>>)
    %dma_start3A_15 = arith.constant 1 : i32
    %dma_start3A_16 = arith.constant 1 : i32
    %dma_start3A_17 = arith.constant 0 : i32
    %dma_start3A_18 = arith.constant 0 : i32
    %dma_start3A_19 = tpu.memref_slice %arg6[%dma_start3A_15, %dma_start3A_17, %dma_start3A_18] : memref<4x320x64xf32, #tpu.memory_space<vmem>> -> memref<1x320x64xf32, #tpu.memory_space<vmem>>
    %dma_start3A_20 = tpu.memref_squeeze %dma_start3A_19 : memref<1x320x64xf32, #tpu.memory_space<vmem>> -> memref<320x64xf32, #tpu.memory_space<vmem>>
    %dma_start3A_21 = arith.constant 320 : i32
    %dma_start3A_22 = tpu.memref_slice %arg5[%dma_start3A_21] : memref<25600xi32, #tpu.memory_space<vmem>> -> memref<320xi32, #tpu.memory_space<vmem>>
    %dma_start3A_23 = arith.constant 0 : i32
    %dma_start3A_24 = arith.constant 0 : i32
    %dma_start3A_25 = tpu.memref_slice %arg3[%dma_start3A_23, %dma_start3A_24] : memref<1000000x64xf32, #tpu.memory_space<hbm>> -> memref<1000000x64xf32, #tpu.memory_space<hbm>>
    %dma_start3A_26 = tpu.memref_slice %arg7[%dma_start3A_16] : memref<4x!tpu.dma_semaphore, #tpu.memory_space<semaphore_mem>> -> memref<1x!tpu.dma_semaphore, #tpu.memory_space<semaphore_mem>>
    %dma_start3A_27 = tpu.memref_squeeze %dma_start3A_26 : memref<1x!tpu.dma_semaphore, #tpu.memory_space<semaphore_mem>> -> memref<!tpu.dma_semaphore, #tpu.memory_space<semaphore_mem>>
    tpu.enqueue_indirect_dma source(%dma_start3A_25 : memref<1000000x64xf32, #tpu.memory_space<hbm>>) target(%dma_start3A_20 : memref<320x64xf32, #tpu.memory_space<vmem>>) offsets(%dma_start3A_22 : memref<320xi32, #tpu.memory_space<vmem>>) semaphore(%dma_start3A_27 : memref<!tpu.dma_semaphore, #tpu.memory_space<semaphore_mem>>)
    %scan3A = arith.constant 0 : i32
    %scan3A_28 = arith.constant 0 : i32
    %scan3A_29 = arith.constant 20 : i32
    %scan3A_30 = arith.addi %scan3A_28, %scan3A_29 : i32
    %scan3A_31 = arith.constant 1 : i32
    scf.for %scan3A_68 = %scan3A_28 to %scan3A_30 step %scan3A_31  : i32 {
      %mul3A_69 = arith.constant 4 : i32
      %mul3A_70 = arith.muli %scan3A_68, %mul3A_69 : i32
      %add3A_71 = arith.constant 0 : i32
      %add3A_72 = arith.addi %mul3A_70, %add3A_71 : i32
      %mul3A_73 = arith.constant 320 : i32
      %mul3A_74 = arith.muli %add3A_72, %mul3A_73 : i32
      %dma_wait3A_75 = arith.constant 0 : i32
      %dma_wait3A_76 = arith.constant 0 : i32
      %dma_wait3A_77 = arith.constant 0 : i32
      %dma_wait3A_78 = arith.constant 0 : i32
      %dma_wait3A_79 = tpu.memref_slice %arg6[%dma_wait3A_75, %dma_wait3A_77, %dma_wait3A_78] : memref<4x320x64xf32, #tpu.memory_space<vmem>> -> memref<1x320x64xf32, #tpu.memory_space<vmem>>
      %dma_wait3A_80 = tpu.memref_squeeze %dma_wait3A_79 : memref<1x320x64xf32, #tpu.memory_space<vmem>> -> memref<320x64xf32, #tpu.memory_space<vmem>>
      %dma_wait3A_81 = tpu.memref_slice %arg5[%mul3A_74] : memref<25600xi32, #tpu.memory_space<vmem>> -> memref<320xi32, #tpu.memory_space<vmem>>
      %dma_wait3A_82 = arith.constant 0 : i32
      %dma_wait3A_83 = arith.constant 0 : i32
      %dma_wait3A_84 = tpu.memref_slice %arg3[%dma_wait3A_82, %dma_wait3A_83] : memref<1000000x64xf32, #tpu.memory_space<hbm>> -> memref<1000000x64xf32, #tpu.memory_space<hbm>>
      %dma_wait3A_85 = tpu.memref_slice %arg7[%dma_wait3A_76] : memref<4x!tpu.dma_semaphore, #tpu.memory_space<semaphore_mem>> -> memref<1x!tpu.dma_semaphore, #tpu.memory_space<semaphore_mem>>
      %dma_wait3A_86 = tpu.memref_squeeze %dma_wait3A_85 : memref<1x!tpu.dma_semaphore, #tpu.memory_space<semaphore_mem>> -> memref<!tpu.dma_semaphore, #tpu.memory_space<semaphore_mem>>
      tpu.wait_indirect_dma semaphore(%dma_wait3A_86 : memref<!tpu.dma_semaphore, #tpu.memory_space<semaphore_mem>>) src(%dma_wait3A_84 : memref<1000000x64xf32, #tpu.memory_space<hbm>>) dst(%dma_wait3A_80 : memref<320x64xf32, #tpu.memory_space<vmem>>)
      %scan3A_87 = arith.constant 0 : i32
      %scan3A_88 = arith.constant 0 : i32
      %scan3A_89 = arith.constant 160 : i32
      %scan3A_90 = arith.addi %scan3A_88, %scan3A_89 : i32
      %scan3A_91 = arith.constant 1 : i32
      scf.for %scan3A_293 = %scan3A_88 to %scan3A_90 step %scan3A_91  : i32 {
        %mul3A_294 = arith.constant 2 : i32
        %mul3A_295 = arith.muli %scan3A_293, %mul3A_294 : i32
        %add3A_296 = arith.constant 0 : i32
        %add3A_297 = arith.addi %mul3A_295, %add3A_296 : i32
        %get3A = arith.constant 0 : i32
        %get3A_298 = arith.index_cast %get3A : i32 to index
        %get3A_299 = arith.index_cast %add3A_297 : i32 to index
        %get3A_300 = arith.constant 0 : index
        %get3A_301 = tpu.vector_load %arg6[%get3A_298, %get3A_299, %get3A_300] {strides = array<i32>} : memref<4x320x64xf32, #tpu.memory_space<vmem>>, vector<1x1x16xf32>,
        %get3A_302 = vector.shape_cast %get3A_301 : vector<1x1x16xf32> to vector<16xf32>
        %mul3A_303 = arith.constant 8.000000e+00 : f32
        %mul3A_304 = vector.broadcast %mul3A_303 : f32 to vector<16xf32>
        %mul3A_305 = arith.mulf %get3A_302, %mul3A_304 : vector<16xf32>
        %mul3A_306 = arith.constant 2 : i32
        %mul3A_307 = arith.muli %scan3A_293, %mul3A_306 : i32
        %add3A_308 = arith.constant 0 : i32
        %add3A_309 = arith.addi %mul3A_307, %add3A_308 : i32
        %swap3A = arith.constant 0 : i32
        %swap3A_310 = arith.index_cast %swap3A : i32 to index
        %swap3A_311 = arith.index_cast %add3A_309 : i32 to index
        %swap3A_312 = arith.constant 0 : index
        %swap3A_313 = tpu.vector_load %arg6[%swap3A_310, %swap3A_311, %swap3A_312] {strides = array<i32>} : memref<4x320x64xf32, #tpu.memory_space<vmem>>, vector<1x1x16xf32>,
        %swap3A_314 = vector.shape_cast %swap3A_313 : vector<1x1x16xf32> to vector<16xf32>
        %swap3A_315 = vector.shape_cast %mul3A_305 : vector<16xf32> to vector<1x1x16xf32>
        tpu.vector_store %arg6[%swap3A_310, %swap3A_311, %swap3A_312], %swap3A_315 {strides = array<i32>} : memref<4x320x64xf32, #tpu.memory_space<vmem>>, vector<1x1x16xf32>,
        %mul3A_316 = arith.constant 2 : i32
        %mul3A_317 = arith.muli %scan3A_293, %mul3A_316 : i32
        %add3A_318 = arith.constant 0 : i32
        %add3A_319 = arith.addi %mul3A_317, %add3A_318 : i32
        %get3A_320 = arith.constant 0 : i32
        %get3A_321 = arith.index_cast %get3A_320 : i32 to index
        %get3A_322 = arith.index_cast %add3A_319 : i32 to index
        %get3A_323 = arith.constant 16 : index
        %get3A_324 = tpu.vector_load %arg6[%get3A_321, %get3A_322, %get3A_323] {strides = array<i32>} : memref<4x320x64xf32, #tpu.memory_space<vmem>>, vector<1x1x16xf32>,
        %get3A_325 = vector.shape_cast %get3A_324 : vector<1x1x16xf32> to vector<16xf32>
        %mul3A_326 = arith.constant 8.000000e+00 : f32
        %mul3A_327 = vector.broadcast %mul3A_326 : f32 to vector<16xf32>
        %mul3A_328 = arith.mulf %get3A_325, %mul3A_327 : vector<16xf32>
        %mul3A_329 = arith.constant 2 : i32
        %mul3A_330 = arith.muli %scan3A_293, %mul3A_329 : i32
        %add3A_331 = arith.constant 0 : i32
        %add3A_332 = arith.addi %mul3A_330, %add3A_331 : i32
        %swap3A_333 = arith.constant 0 : i32
        %swap3A_334 = arith.index_cast %swap3A_333 : i32 to index
        %swap3A_335 = arith.index_cast %add3A_332 : i32 to index
        %swap3A_336 = arith.constant 16 : index
        %swap3A_337 = tpu.vector_load %arg6[%swap3A_334, %swap3A_335, %swap3A_336] {strides = array<i32>} : memref<4x320x64xf32, #tpu.memory_space<vmem>>, vector<1x1x16xf32>,
        %swap3A_338 = vector.shape_cast %swap3A_337 : vector<1x1x16xf32> to vector<16xf32>
        %swap3A_339 = vector.shape_cast %mul3A_328 : vector<16xf32> to vector<1x1x16xf32>
        tpu.vector_store %arg6[%swap3A_334, %swap3A_335, %swap3A_336], %swap3A_339 {strides = array<i32>} : memref<4x320x64xf32, #tpu.memory_space<vmem>>, vector<1x1x16xf32>,
        %mul3A_340 = arith.constant 2 : i32
        %mul3A_341 = arith.muli %scan3A_293, %mul3A_340 : i32
        %add3A_342 = arith.constant 0 : i32
        %add3A_343 = arith.addi %mul3A_341, %add3A_342 : i32
        %get3A_344 = arith.constant 0 : i32
        %get3A_345 = arith.index_cast %get3A_344 : i32 to index
        %get3A_346 = arith.index_cast %add3A_343 : i32 to index
        %get3A_347 = arith.constant 32 : index
        %get3A_348 = tpu.vector_load %arg6[%get3A_345, %get3A_346, %get3A_347] {strides = array<i32>} : memref<4x320x64xf32, #tpu.memory_space<vmem>>, vector<1x1x16xf32>,
        %get3A_349 = vector.shape_cast %get3A_348 : vector<1x1x16xf32> to vector<16xf32>
        %mul3A_350 = arith.constant 8.000000e+00 : f32
        %mul3A_351 = vector.broadcast %mul3A_350 : f32 to vector<16xf32>
        %mul3A_352 = arith.mulf %get3A_349, %mul3A_351 : vector<16xf32>
        %mul3A_353 = arith.constant 2 : i32
        %mul3A_354 = arith.muli %scan3A_293, %mul3A_353 : i32
        %add3A_355 = arith.constant 0 : i32
        %add3A_356 = arith.addi %mul3A_354, %add3A_355 : i32
        %swap3A_357 = arith.constant 0 : i32
        %swap3A_358 = arith.index_cast %swap3A_357 : i32 to index
        %swap3A_359 = arith.index_cast %add3A_356 : i32 to index
        %swap3A_360 = arith.constant 32 : index
        %swap3A_361 = tpu.vector_load %arg6[%swap3A_358, %swap3A_359, %swap3A_360] {strides = array<i32>} : memref<4x320x64xf32, #tpu.memory_space<vmem>>, vector<1x1x16xf32>,
        %swap3A_362 = vector.shape_cast %swap3A_361 : vector<1x1x16xf32> to vector<16xf32>
        %swap3A_363 = vector.shape_cast %mul3A_352 : vector<16xf32> to vector<1x1x16xf32>
        tpu.vector_store %arg6[%swap3A_358, %swap3A_359, %swap3A_360], %swap3A_363 {strides = array<i32>} : memref<4x320x64xf32, #tpu.memory_space<vmem>>, vector<1x1x16xf32>,
        %mul3A_364 = arith.constant 2 : i32
        %mul3A_365 = arith.muli %scan3A_293, %mul3A_364 : i32
        %add3A_366 = arith.constant 0 : i32
        %add3A_367 = arith.addi %mul3A_365, %add3A_366 : i32
        %get3A_368 = arith.constant 0 : i32
        %get3A_369 = arith.index_cast %get3A_368 : i32 to index
        %get3A_370 = arith.index_cast %add3A_367 : i32 to index
        %get3A_371 = arith.constant 48 : index
        %get3A_372 = tpu.vector_load %arg6[%get3A_369, %get3A_370, %get3A_371] {strides = array<i32>} : memref<4x320x64xf32, #tpu.memory_space<vmem>>, vector<1x1x16xf32>,
        %get3A_373 = vector.shape_cast %get3A_372 : vector<1x1x16xf32> to vector<16xf32>
        %mul3A_374 = arith.constant 8.000000e+00 : f32
        %mul3A_375 = vector.broadcast %mul3A_374 : f32 to vector<16xf32>
        %mul3A_376 = arith.mulf %get3A_373, %mul3A_375 : vector<16xf32>
        %mul3A_377 = arith.constant 2 : i32
        %mul3A_378 = arith.muli %scan3A_293, %mul3A_377 : i32
        %add3A_379 = arith.constant 0 : i32
        %add3A_380 = arith.addi %mul3A_378, %add3A_379 : i32
        %swap3A_381 = arith.constant 0 : i32
        %swap3A_382 = arith.index_cast %swap3A_381 : i32 to index
        %swap3A_383 = arith.index_cast %add3A_380 : i32 to index
        %swap3A_384 = arith.constant 48 : index
        %swap3A_385 = tpu.vector_load %arg6[%swap3A_382, %swap3A_383, %swap3A_384] {strides = array<i32>} : memref<4x320x64xf32, #tpu.memory_space<vmem>>, vector<1x1x16xf32>,
        %swap3A_386 = vector.shape_cast %swap3A_385 : vector<1x1x16xf32> to vector<16xf32>
        %swap3A_387 = vector.shape_cast %mul3A_376 : vector<16xf32> to vector<1x1x16xf32>
        tpu.vector_store %arg6[%swap3A_382, %swap3A_383, %swap3A_384], %swap3A_387 {strides = array<i32>} : memref<4x320x64xf32, #tpu.memory_space<vmem>>, vector<1x1x16xf32>,
        %mul3A_388 = arith.constant 2 : i32
        %mul3A_389 = arith.muli %scan3A_293, %mul3A_388 : i32
        %add3A_390 = arith.constant 1 : i32
        %add3A_391 = arith.addi %mul3A_389, %add3A_390 : i32
        %get3A_392 = arith.constant 0 : i32
        %get3A_393 = arith.index_cast %get3A_392 : i32 to index
        %get3A_394 = arith.index_cast %add3A_391 : i32 to index
        %get3A_395 = arith.constant 0 : index
        %get3A_396 = tpu.vector_load %arg6[%get3A_393, %get3A_394, %get3A_395] {strides = array<i32>} : memref<4x320x64xf32, #tpu.memory_space<vmem>>, vector<1x1x16xf32>,
        %get3A_397 = vector.shape_cast %get3A_396 : vector<1x1x16xf32> to vector<16xf32>
        %mul3A_398 = arith.constant 8.000000e+00 : f32
        %mul3A_399 = vector.broadcast %mul3A_398 : f32 to vector<16xf32>
        %mul3A_400 = arith.mulf %get3A_397, %mul3A_399 : vector<16xf32>
        %mul3A_401 = arith.constant 2 : i32
        %mul3A_402 = arith.muli %scan3A_293, %mul3A_401 : i32
        %add3A_403 = arith.constant 1 : i32
        %add3A_404 = arith.addi %mul3A_402, %add3A_403 : i32
        %swap3A_405 = arith.constant 0 : i32
        %swap3A_406 = arith.index_cast %swap3A_405 : i32 to index
        %swap3A_407 = arith.index_cast %add3A_404 : i32 to index
        %swap3A_408 = arith.constant 0 : index
        %swap3A_409 = tpu.vector_load %arg6[%swap3A_406, %swap3A_407, %swap3A_408] {strides = array<i32>} : memref<4x320x64xf32, #tpu.memory_space<vmem>>, vector<1x1x16xf32>,
        %swap3A_410 = vector.shape_cast %swap3A_409 : vector<1x1x16xf32> to vector<16xf32>
        %swap3A_411 = vector.shape_cast %mul3A_400 : vector<16xf32> to vector<1x1x16xf32>
        tpu.vector_store %arg6[%swap3A_406, %swap3A_407, %swap3A_408], %swap3A_411 {strides = array<i32>} : memref<4x320x64xf32, #tpu.memory_space<vmem>>, vector<1x1x16xf32>,
        %mul3A_412 = arith.constant 2 : i32
        %mul3A_413 = arith.muli %scan3A_293, %mul3A_412 : i32
        %add3A_414 = arith.constant 1 : i32
        %add3A_415 = arith.addi %mul3A_413, %add3A_414 : i32
        %get3A_416 = arith.constant 0 : i32
        %get3A_417 = arith.index_cast %get3A_416 : i32 to index
        %get3A_418 = arith.index_cast %add3A_415 : i32 to index
        %get3A_419 = arith.constant 16 : index
        %get3A_420 = tpu.vector_load %arg6[%get3A_417, %get3A_418, %get3A_419] {strides = array<i32>} : memref<4x320x64xf32, #tpu.memory_space<vmem>>, vector<1x1x16xf32>,
        %get3A_421 = vector.shape_cast %get3A_420 : vector<1x1x16xf32> to vector<16xf32>
        %mul3A_422 = arith.constant 8.000000e+00 : f32
        %mul3A_423 = vector.broadcast %mul3A_422 : f32 to vector<16xf32>
        %mul3A_424 = arith.mulf %get3A_421, %mul3A_423 : vector<16xf32>
        %mul3A_425 = arith.constant 2 : i32
        %mul3A_426 = arith.muli %scan3A_293, %mul3A_425 : i32
        %add3A_427 = arith.constant 1 : i32
        %add3A_428 = arith.addi %mul3A_426, %add3A_427 : i32
        %swap3A_429 = arith.constant 0 : i32
        %swap3A_430 = arith.index_cast %swap3A_429 : i32 to index
        %swap3A_431 = arith.index_cast %add3A_428 : i32 to index
        %swap3A_432 = arith.constant 16 : index
        %swap3A_433 = tpu.vector_load %arg6[%swap3A_430, %swap3A_431, %swap3A_432] {strides = array<i32>} : memref<4x320x64xf32, #tpu.memory_space<vmem>>, vector<1x1x16xf32>,
        %swap3A_434 = vector.shape_cast %swap3A_433 : vector<1x1x16xf32> to vector<16xf32>
        %swap3A_435 = vector.shape_cast %mul3A_424 : vector<16xf32> to vector<1x1x16xf32>
        tpu.vector_store %arg6[%swap3A_430, %swap3A_431, %swap3A_432], %swap3A_435 {strides = array<i32>} : memref<4x320x64xf32, #tpu.memory_space<vmem>>, vector<1x1x16xf32>,
        %mul3A_436 = arith.constant 2 : i32
        %mul3A_437 = arith.muli %scan3A_293, %mul3A_436 : i32
        %add3A_438 = arith.constant 1 : i32
        %add3A_439 = arith.addi %mul3A_437, %add3A_438 : i32
        %get3A_440 = arith.constant 0 : i32
        %get3A_441 = arith.index_cast %get3A_440 : i32 to index
        %get3A_442 = arith.index_cast %add3A_439 : i32 to index
        %get3A_443 = arith.constant 32 : index
        %get3A_444 = tpu.vector_load %arg6[%get3A_441, %get3A_442, %get3A_443] {strides = array<i32>} : memref<4x320x64xf32, #tpu.memory_space<vmem>>, vector<1x1x16xf32>,
        %get3A_445 = vector.shape_cast %get3A_444 : vector<1x1x16xf32> to vector<16xf32>
        %mul3A_446 = arith.constant 8.000000e+00 : f32
        %mul3A_447 = vector.broadcast %mul3A_446 : f32 to vector<16xf32>
        %mul3A_448 = arith.mulf %get3A_445, %mul3A_447 : vector<16xf32>
        %mul3A_449 = arith.constant 2 : i32
        %mul3A_450 = arith.muli %scan3A_293, %mul3A_449 : i32
        %add3A_451 = arith.constant 1 : i32
        %add3A_452 = arith.addi %mul3A_450, %add3A_451 : i32
        %swap3A_453 = arith.constant 0 : i32
        %swap3A_454 = arith.index_cast %swap3A_453 : i32 to index
        %swap3A_455 = arith.index_cast %add3A_452 : i32 to index
        %swap3A_456 = arith.constant 32 : index
        %swap3A_457 = tpu.vector_load %arg6[%swap3A_454, %swap3A_455, %swap3A_456] {strides = array<i32>} : memref<4x320x64xf32, #tpu.memory_space<vmem>>, vector<1x1x16xf32>,
        %swap3A_458 = vector.shape_cast %swap3A_457 : vector<1x1x16xf32> to vector<16xf32>
        %swap3A_459 = vector.shape_cast %mul3A_448 : vector<16xf32> to vector<1x1x16xf32>
        tpu.vector_store %arg6[%swap3A_454, %swap3A_455, %swap3A_456], %swap3A_459 {strides = array<i32>} : memref<4x320x64xf32, #tpu.memory_space<vmem>>, vector<1x1x16xf32>,
        %mul3A_460 = arith.constant 2 : i32
        %mul3A_461 = arith.muli %scan3A_293, %mul3A_460 : i32
        %add3A_462 = arith.constant 1 : i32
        %add3A_463 = arith.addi %mul3A_461, %add3A_462 : i32
        %get3A_464 = arith.constant 0 : i32
        %get3A_465 = arith.index_cast %get3A_464 : i32 to index
        %get3A_466 = arith.index_cast %add3A_463 : i32 to index
        %get3A_467 = arith.constant 48 : index
        %get3A_468 = tpu.vector_load %arg6[%get3A_465, %get3A_466, %get3A_467] {strides = array<i32>} : memref<4x320x64xf32, #tpu.memory_space<vmem>>, vector<1x1x16xf32>,
        %get3A_469 = vector.shape_cast %get3A_468 : vector<1x1x16xf32> to vector<16xf32>
        %mul3A_470 = arith.constant 8.000000e+00 : f32
        %mul3A_471 = vector.broadcast %mul3A_470 : f32 to vector<16xf32>
        %mul3A_472 = arith.mulf %get3A_469, %mul3A_471 : vector<16xf32>
        %mul3A_473 = arith.constant 2 : i32
        %mul3A_474 = arith.muli %scan3A_293, %mul3A_473 : i32
        %add3A_475 = arith.constant 1 : i32
        %add3A_476 = arith.addi %mul3A_474, %add3A_475 : i32
        %swap3A_477 = arith.constant 0 : i32
        %swap3A_478 = arith.index_cast %swap3A_477 : i32 to index
        %swap3A_479 = arith.index_cast %add3A_476 : i32 to index
        %swap3A_480 = arith.constant 48 : index
        %swap3A_481 = tpu.vector_load %arg6[%swap3A_478, %swap3A_479, %swap3A_480] {strides = array<i32>} : memref<4x320x64xf32, #tpu.memory_space<vmem>>, vector<1x1x16xf32>,
        %swap3A_482 = vector.shape_cast %swap3A_481 : vector<1x1x16xf32> to vector<16xf32>
        %swap3A_483 = vector.shape_cast %mul3A_472 : vector<16xf32> to vector<1x1x16xf32>
        tpu.vector_store %arg6[%swap3A_478, %swap3A_479, %swap3A_480], %swap3A_483 {strides = array<i32>} : memref<4x320x64xf32, #tpu.memory_space<vmem>>, vector<1x1x16xf32>,
      }
      %scan3A_92 = arith.constant 160 : i32
      %mul3A_93 = arith.constant 320 : i32
      %mul3A_94 = arith.muli %add3A_72, %mul3A_93 : i32
      %add3A_95 = arith.addi %mul3A_2, %mul3A_94 : i32
      %dma_start3A_96 = arith.constant 0 : i32
      %dma_start3A_97 = arith.constant 0 : i32
      %dma_start3A_98 = arith.constant 0 : i32
      %dma_start3A_99 = arith.constant 0 : i32
      %dma_start3A_100 = tpu.memref_slice %arg6[%dma_start3A_96, %dma_start3A_98, %dma_start3A_99] : memref<4x320x64xf32, #tpu.memory_space<vmem>> -> memref<1x320x64xf32, #tpu.memory_space<vmem>>
      %dma_start3A_101 = tpu.memref_squeeze %dma_start3A_100 : memref<1x320x64xf32, #tpu.memory_space<vmem>> -> memref<320x64xf32, #tpu.memory_space<vmem>>
      %dma_start3A_102 = arith.constant 0 : i32
      %dma_start3A_103 = tpu.memref_slice %arg4[%add3A_95, %dma_start3A_102] : memref<819200x64xf32, #tpu.memory_space<hbm>> -> memref<320x64xf32, #tpu.memory_space<hbm>>
      %dma_start3A_104 = tpu.memref_slice %arg8[%dma_start3A_97] : memref<4x!tpu.dma_semaphore, #tpu.memory_space<semaphore_mem>> -> memref<1x!tpu.dma_semaphore, #tpu.memory_space<semaphore_mem>>
      %dma_start3A_105 = tpu.memref_squeeze %dma_start3A_104 : memref<1x!tpu.dma_semaphore, #tpu.memory_space<semaphore_mem>> -> memref<!tpu.dma_semaphore, #tpu.memory_space<semaphore_mem>>
      %dma_start3A_106 = arith.constant 0 : i32
      %dma_start3A_107 = tpu.memref_slice %arg4[%add3A_95, %dma_start3A_106] : memref<819200x64xf32, #tpu.memory_space<hbm>> -> memref<320x64xf32, #tpu.memory_space<hbm>>
      %dma_start3A_108 = arith.constant 0 : i32
      %dma_start3A_109 = arith.constant 0 : i32
      %dma_start3A_110 = tpu.memref_slice %arg6[%dma_start3A_96, %dma_start3A_108, %dma_start3A_109] : memref<4x320x64xf32, #tpu.memory_space<vmem>> -> memref<1x320x64xf32, #tpu.memory_space<vmem>>
      %dma_start3A_111 = tpu.memref_squeeze %dma_start3A_110 : memref<1x320x64xf32, #tpu.memory_space<vmem>> -> memref<320x64xf32, #tpu.memory_space<vmem>>
      tpu.enqueue_dma source(%dma_start3A_111 : memref<320x64xf32, #tpu.memory_space<vmem>>) target(%dma_start3A_107 : memref<320x64xf32, #tpu.memory_space<hbm>>) target_semaphore(%dma_start3A_105 : memref<!tpu.dma_semaphore, #tpu.memory_space<semaphore_mem>>)
      %add3A_112 = arith.constant 2 : i32
      %add3A_113 = arith.addi %add3A_72, %add3A_112 : i32
      %ge3A = arith.constant 4 : i32
      %ge3A_114 = arith.cmpi sge, %add3A_113, %ge3A : i32
      %convert_element_type3A = arith.extui %ge3A_114 : i1 to i32
      %cond3A = arith.constant 0 : i32
      %cond3A_115 = arith.cmpi ne, %convert_element_type3A, %cond3A : i32
      scf.if %cond3A_115 {
        %dma_wait3A_293 = arith.constant 2 : i32
        %dma_wait3A_294 = arith.constant 2 : i32
        %dma_wait3A_295 = arith.constant 0 : i32
        %dma_wait3A_296 = arith.constant 0 : i32
        %dma_wait3A_297 = tpu.memref_slice %arg6[%dma_wait3A_293, %dma_wait3A_295, %dma_wait3A_296] : memref<4x320x64xf32, #tpu.memory_space<vmem>> -> memref<1x320x64xf32, #tpu.memory_space<vmem>>
        %dma_wait3A_298 = tpu.memref_squeeze %dma_wait3A_297 : memref<1x320x64xf32, #tpu.memory_space<vmem>> -> memref<320x64xf32, #tpu.memory_space<vmem>>
        %dma_wait3A_299 = arith.constant 0 : i32
        %dma_wait3A_300 = arith.constant 0 : i32
        %dma_wait3A_301 = tpu.memref_slice %arg4[%dma_wait3A_299, %dma_wait3A_300] : memref<819200x64xf32, #tpu.memory_space<hbm>> -> memref<320x64xf32, #tpu.memory_space<hbm>>
        %dma_wait3A_302 = tpu.memref_slice %arg8[%dma_wait3A_294] : memref<4x!tpu.dma_semaphore, #tpu.memory_space<semaphore_mem>> -> memref<1x!tpu.dma_semaphore, #tpu.memory_space<semaphore_mem>>
        %dma_wait3A_303 = tpu.memref_squeeze %dma_wait3A_302 : memref<1x!tpu.dma_semaphore, #tpu.memory_space<semaphore_mem>> -> memref<!tpu.dma_semaphore, #tpu.memory_space<semaphore_mem>>
        %dma_wait3A_304 = arith.constant 0 : i32
        %dma_wait3A_305 = arith.constant 0 : i32
        %dma_wait3A_306 = tpu.memref_slice %arg4[%dma_wait3A_304, %dma_wait3A_305] : memref<819200x64xf32, #tpu.memory_space<hbm>> -> memref<320x64xf32, #tpu.memory_space<hbm>>
        %dma_wait3A_307 = arith.constant 0 : i32
        %dma_wait3A_308 = arith.constant 0 : i32
        %dma_wait3A_309 = tpu.memref_slice %arg6[%dma_wait3A_293, %dma_wait3A_307, %dma_wait3A_308] : memref<4x320x64xf32, #tpu.memory_space<vmem>> -> memref<1x320x64xf32, #tpu.memory_space<vmem>>
        %dma_wait3A_310 = tpu.memref_squeeze %dma_wait3A_309 : memref<1x320x64xf32, #tpu.memory_space<vmem>> -> memref<320x64xf32, #tpu.memory_space<vmem>>
        tpu.wait_dma2 semaphore(%dma_wait3A_303 : memref<!tpu.dma_semaphore, #tpu.memory_space<semaphore_mem>>) src(%dma_wait3A_310 : memref<320x64xf32, #tpu.memory_space<vmem>>) dst(%dma_wait3A_306 : memref<320x64xf32, #tpu.memory_space<hbm>>)
      } else {
      }
      %add3A_116 = arith.constant 2 : i32
      %add3A_117 = arith.addi %add3A_72, %add3A_116 : i32
      %lt3A = arith.constant 80 : i32
      %lt3A_118 = arith.cmpi slt, %add3A_117, %lt3A : i32
      %convert_element_type3A_119 = arith.extui %lt3A_118 : i1 to i32
      %cond3A_120 = arith.constant 0 : i32
      %cond3A_121 = arith.cmpi ne, %convert_element_type3A_119, %cond3A_120 : i32
      scf.if %cond3A_121 {
        %add3A_293 = arith.constant 2 : i32
        %add3A_294 = arith.addi %add3A_72, %add3A_293 : i32
        %mul3A_295 = arith.constant 320 : i32
        %mul3A_296 = arith.muli %add3A_294, %mul3A_295 : i32
        %dma_start3A_297 = arith.constant 2 : i32
        %dma_start3A_298 = arith.constant 2 : i32
        %dma_start3A_299 = arith.constant 0 : i32
        %dma_start3A_300 = arith.constant 0 : i32
        %dma_start3A_301 = tpu.memref_slice %arg6[%dma_start3A_297, %dma_start3A_299, %dma_start3A_300] : memref<4x320x64xf32, #tpu.memory_space<vmem>> -> memref<1x320x64xf32, #tpu.memory_space<vmem>>
        %dma_start3A_302 = tpu.memref_squeeze %dma_start3A_301 : memref<1x320x64xf32, #tpu.memory_space<vmem>> -> memref<320x64xf32, #tpu.memory_space<vmem>>
        %dma_start3A_303 = tpu.memref_slice %arg5[%mul3A_296] : memref<25600xi32, #tpu.memory_space<vmem>> -> memref<320xi32, #tpu.memory_space<vmem>>
        %dma_start3A_304 = arith.constant 0 : i32
        %dma_start3A_305 = arith.constant 0 : i32
        %dma_start3A_306 = tpu.memref_slice %arg3[%dma_start3A_304, %dma_start3A_305] : memref<1000000x64xf32, #tpu.memory_space<hbm>> -> memref<1000000x64xf32, #tpu.memory_space<hbm>>
        %dma_start3A_307 = tpu.memref_slice %arg7[%dma_start3A_298] : memref<4x!tpu.dma_semaphore, #tpu.memory_space<semaphore_mem>> -> memref<1x!tpu.dma_semaphore, #tpu.memory_space<semaphore_mem>>
        %dma_start3A_308 = tpu.memref_squeeze %dma_start3A_307 : memref<1x!tpu.dma_semaphore, #tpu.memory_space<semaphore_mem>> -> memref<!tpu.dma_semaphore, #tpu.memory_space<semaphore_mem>>
        tpu.enqueue_indirect_dma source(%dma_start3A_306 : memref<1000000x64xf32, #tpu.memory_space<hbm>>) target(%dma_start3A_302 : memref<320x64xf32, #tpu.memory_space<vmem>>) offsets(%dma_start3A_303 : memref<320xi32, #tpu.memory_space<vmem>>) semaphore(%dma_start3A_308 : memref<!tpu.dma_semaphore, #tpu.memory_space<semaphore_mem>>)
      } else {
      }
      %mul3A_122 = arith.constant 4 : i32
      %mul3A_123 = arith.muli %scan3A_68, %mul3A_122 : i32
      %add3A_124 = arith.constant 1 : i32
      %add3A_125 = arith.addi %mul3A_123, %add3A_124 : i32
      %mul3A_126 = arith.constant 320 : i32
      %mul3A_127 = arith.muli %add3A_125, %mul3A_126 : i32
      %dma_wait3A_128 = arith.constant 1 : i32
      %dma_wait3A_129 = arith.constant 1 : i32
      %dma_wait3A_130 = arith.constant 0 : i32
      %dma_wait3A_131 = arith.constant 0 : i32
      %dma_wait3A_132 = tpu.memref_slice %arg6[%dma_wait3A_128, %dma_wait3A_130, %dma_wait3A_131] : memref<4x320x64xf32, #tpu.memory_space<vmem>> -> memref<1x320x64xf32, #tpu.memory_space<vmem>>
      %dma_wait3A_133 = tpu.memref_squeeze %dma_wait3A_132 : memref<1x320x64xf32, #tpu.memory_space<vmem>> -> memref<320x64xf32, #tpu.memory_space<vmem>>
      %dma_wait3A_134 = tpu.memref_slice %arg5[%mul3A_127] : memref<25600xi32, #tpu.memory_space<vmem>> -> memref<320xi32, #tpu.memory_space<vmem>>
      %dma_wait3A_135 = arith.constant 0 : i32
      %dma_wait3A_136 = arith.constant 0 : i32
      %dma_wait3A_137 = tpu.memref_slice %arg3[%dma_wait3A_135, %dma_wait3A_136] : memref<1000000x64xf32, #tpu.memory_space<hbm>> -> memref<1000000x64xf32, #tpu.memory_space<hbm>>
      %dma_wait3A_138 = tpu.memref_slice %arg7[%dma_wait3A_129] : memref<4x!tpu.dma_semaphore, #tpu.memory_space<semaphore_mem>> -> memref<1x!tpu.dma_semaphore, #tpu.memory_space<semaphore_mem>>
      %dma_wait3A_139 = tpu.memref_squeeze %dma_wait3A_138 : memref<1x!tpu.dma_semaphore, #tpu.memory_space<semaphore_mem>> -> memref<!tpu.dma_semaphore, #tpu.memory_space<semaphore_mem>>
      tpu.wait_indirect_dma semaphore(%dma_wait3A_139 : memref<!tpu.dma_semaphore, #tpu.memory_space<semaphore_mem>>) src(%dma_wait3A_137 : memref<1000000x64xf32, #tpu.memory_space<hbm>>) dst(%dma_wait3A_133 : memref<320x64xf32, #tpu.memory_space<vmem>>)
      %scan3A_140 = arith.constant 0 : i32
      %scan3A_141 = arith.constant 0 : i32
      %scan3A_142 = arith.constant 160 : i32
      %scan3A_143 = arith.addi %scan3A_141, %scan3A_142 : i32
      %scan3A_144 = arith.constant 1 : i32
      scf.for %scan3A_293 = %scan3A_141 to %scan3A_143 step %scan3A_144  : i32 {
        %mul3A_294 = arith.constant 2 : i32
        %mul3A_295 = arith.muli %scan3A_293, %mul3A_294 : i32
        %add3A_296 = arith.constant 0 : i32
        %add3A_297 = arith.addi %mul3A_295, %add3A_296 : i32
        %get3A = arith.constant 1 : i32
        %get3A_298 = arith.index_cast %get3A : i32 to index
        %get3A_299 = arith.index_cast %add3A_297 : i32 to index
        %get3A_300 = arith.constant 0 : index
        %get3A_301 = tpu.vector_load %arg6[%get3A_298, %get3A_299, %get3A_300] {strides = array<i32>} : memref<4x320x64xf32, #tpu.memory_space<vmem>>, vector<1x1x16xf32>,
        %get3A_302 = vector.shape_cast %get3A_301 : vector<1x1x16xf32> to vector<16xf32>
        %mul3A_303 = arith.constant 8.000000e+00 : f32
        %mul3A_304 = vector.broadcast %mul3A_303 : f32 to vector<16xf32>
        %mul3A_305 = arith.mulf %get3A_302, %mul3A_304 : vector<16xf32>
        %mul3A_306 = arith.constant 2 : i32
        %mul3A_307 = arith.muli %scan3A_293, %mul3A_306 : i32
        %add3A_308 = arith.constant 0 : i32
        %add3A_309 = arith.addi %mul3A_307, %add3A_308 : i32
        %swap3A = arith.constant 1 : i32
        %swap3A_310 = arith.index_cast %swap3A : i32 to index
        %swap3A_311 = arith.index_cast %add3A_309 : i32 to index
        %swap3A_312 = arith.constant 0 : index
        %swap3A_313 = tpu.vector_load %arg6[%swap3A_310, %swap3A_311, %swap3A_312] {strides = array<i32>} : memref<4x320x64xf32, #tpu.memory_space<vmem>>, vector<1x1x16xf32>,
        %swap3A_314 = vector.shape_cast %swap3A_313 : vector<1x1x16xf32> to vector<16xf32>
        %swap3A_315 = vector.shape_cast %mul3A_305 : vector<16xf32> to vector<1x1x16xf32>
        tpu.vector_store %arg6[%swap3A_310, %swap3A_311, %swap3A_312], %swap3A_315 {strides = array<i32>} : memref<4x320x64xf32, #tpu.memory_space<vmem>>, vector<1x1x16xf32>,
        %mul3A_316 = arith.constant 2 : i32
        %mul3A_317 = arith.muli %scan3A_293, %mul3A_316 : i32
        %add3A_318 = arith.constant 0 : i32
        %add3A_319 = arith.addi %mul3A_317, %add3A_318 : i32
        %get3A_320 = arith.constant 1 : i32
        %get3A_321 = arith.index_cast %get3A_320 : i32 to index
        %get3A_322 = arith.index_cast %add3A_319 : i32 to index
        %get3A_323 = arith.constant 16 : index
        %get3A_324 = tpu.vector_load %arg6[%get3A_321, %get3A_322, %get3A_323] {strides = array<i32>} : memref<4x320x64xf32, #tpu.memory_space<vmem>>, vector<1x1x16xf32>,
        %get3A_325 = vector.shape_cast %get3A_324 : vector<1x1x16xf32> to vector<16xf32>
        %mul3A_326 = arith.constant 8.000000e+00 : f32
        %mul3A_327 = vector.broadcast %mul3A_326 : f32 to vector<16xf32>
        %mul3A_328 = arith.mulf %get3A_325, %mul3A_327 : vector<16xf32>
        %mul3A_329 = arith.constant 2 : i32
        %mul3A_330 = arith.muli %scan3A_293, %mul3A_329 : i32
        %add3A_331 = arith.constant 0 : i32
        %add3A_332 = arith.addi %mul3A_330, %add3A_331 : i32
        %swap3A_333 = arith.constant 1 : i32
        %swap3A_334 = arith.index_cast %swap3A_333 : i32 to index
        %swap3A_335 = arith.index_cast %add3A_332 : i32 to index
        %swap3A_336 = arith.constant 16 : index
        %swap3A_337 = tpu.vector_load %arg6[%swap3A_334, %swap3A_335, %swap3A_336] {strides = array<i32>} : memref<4x320x64xf32, #tpu.memory_space<vmem>>, vector<1x1x16xf32>,
        %swap3A_338 = vector.shape_cast %swap3A_337 : vector<1x1x16xf32> to vector<16xf32>
        %swap3A_339 = vector.shape_cast %mul3A_328 : vector<16xf32> to vector<1x1x16xf32>
        tpu.vector_store %arg6[%swap3A_334, %swap3A_335, %swap3A_336], %swap3A_339 {strides = array<i32>} : memref<4x320x64xf32, #tpu.memory_space<vmem>>, vector<1x1x16xf32>,
        %mul3A_340 = arith.constant 2 : i32
        %mul3A_341 = arith.muli %scan3A_293, %mul3A_340 : i32
        %add3A_342 = arith.constant 0 : i32
        %add3A_343 = arith.addi %mul3A_341, %add3A_342 : i32
        %get3A_344 = arith.constant 1 : i32
        %get3A_345 = arith.index_cast %get3A_344 : i32 to index
        %get3A_346 = arith.index_cast %add3A_343 : i32 to index
        %get3A_347 = arith.constant 32 : index
        %get3A_348 = tpu.vector_load %arg6[%get3A_345, %get3A_346, %get3A_347] {strides = array<i32>} : memref<4x320x64xf32, #tpu.memory_space<vmem>>, vector<1x1x16xf32>,
        %get3A_349 = vector.shape_cast %get3A_348 : vector<1x1x16xf32> to vector<16xf32>
        %mul3A_350 = arith.constant 8.000000e+00 : f32
        %mul3A_351 = vector.broadcast %mul3A_350 : f32 to vector<16xf32>
        %mul3A_352 = arith.mulf %get3A_349, %mul3A_351 : vector<16xf32>
        %mul3A_353 = arith.constant 2 : i32
        %mul3A_354 = arith.muli %scan3A_293, %mul3A_353 : i32
        %add3A_355 = arith.constant 0 : i32
        %add3A_356 = arith.addi %mul3A_354, %add3A_355 : i32
        %swap3A_357 = arith.constant 1 : i32
        %swap3A_358 = arith.index_cast %swap3A_357 : i32 to index
        %swap3A_359 = arith.index_cast %add3A_356 : i32 to index
        %swap3A_360 = arith.constant 32 : index
        %swap3A_361 = tpu.vector_load %arg6[%swap3A_358, %swap3A_359, %swap3A_360] {strides = array<i32>} : memref<4x320x64xf32, #tpu.memory_space<vmem>>, vector<1x1x16xf32>,
        %swap3A_362 = vector.shape_cast %swap3A_361 : vector<1x1x16xf32> to vector<16xf32>
        %swap3A_363 = vector.shape_cast %mul3A_352 : vector<16xf32> to vector<1x1x16xf32>
        tpu.vector_store %arg6[%swap3A_358, %swap3A_359, %swap3A_360], %swap3A_363 {strides = array<i32>} : memref<4x320x64xf32, #tpu.memory_space<vmem>>, vector<1x1x16xf32>,
        %mul3A_364 = arith.constant 2 : i32
        %mul3A_365 = arith.muli %scan3A_293, %mul3A_364 : i32
        %add3A_366 = arith.constant 0 : i32
        %add3A_367 = arith.addi %mul3A_365, %add3A_366 : i32
        %get3A_368 = arith.constant 1 : i32
        %get3A_369 = arith.index_cast %get3A_368 : i32 to index
        %get3A_370 = arith.index_cast %add3A_367 : i32 to index
        %get3A_371 = arith.constant 48 : index
        %get3A_372 = tpu.vector_load %arg6[%get3A_369, %get3A_370, %get3A_371] {strides = array<i32>} : memref<4x320x64xf32, #tpu.memory_space<vmem>>, vector<1x1x16xf32>,
        %get3A_373 = vector.shape_cast %get3A_372 : vector<1x1x16xf32> to vector<16xf32>
        %mul3A_374 = arith.constant 8.000000e+00 : f32
        %mul3A_375 = vector.broadcast %mul3A_374 : f32 to vector<16xf32>
        %mul3A_376 = arith.mulf %get3A_373, %mul3A_375 : vector<16xf32>
        %mul3A_377 = arith.constant 2 : i32
        %mul3A_378 = arith.muli %scan3A_293, %mul3A_377 : i32
        %add3A_379 = arith.constant 0 : i32
        %add3A_380 = arith.addi %mul3A_378, %add3A_379 : i32
        %swap3A_381 = arith.constant 1 : i32
        %swap3A_382 = arith.index_cast %swap3A_381 : i32 to index
        %swap3A_383 = arith.index_cast %add3A_380 : i32 to index
        %swap3A_384 = arith.constant 48 : index
        %swap3A_385 = tpu.vector_load %arg6[%swap3A_382, %swap3A_383, %swap3A_384] {strides = array<i32>} : memref<4x320x64xf32, #tpu.memory_space<vmem>>, vector<1x1x16xf32>,
        %swap3A_386 = vector.shape_cast %swap3A_385 : vector<1x1x16xf32> to vector<16xf32>
        %swap3A_387 = vector.shape_cast %mul3A_376 : vector<16xf32> to vector<1x1x16xf32>
        tpu.vector_store %arg6[%swap3A_382, %swap3A_383, %swap3A_384], %swap3A_387 {strides = array<i32>} : memref<4x320x64xf32, #tpu.memory_space<vmem>>, vector<1x1x16xf32>,
        %mul3A_388 = arith.constant 2 : i32
        %mul3A_389 = arith.muli %scan3A_293, %mul3A_388 : i32
        %add3A_390 = arith.constant 1 : i32
        %add3A_391 = arith.addi %mul3A_389, %add3A_390 : i32
        %get3A_392 = arith.constant 1 : i32
        %get3A_393 = arith.index_cast %get3A_392 : i32 to index
        %get3A_394 = arith.index_cast %add3A_391 : i32 to index
        %get3A_395 = arith.constant 0 : index
        %get3A_396 = tpu.vector_load %arg6[%get3A_393, %get3A_394, %get3A_395] {strides = array<i32>} : memref<4x320x64xf32, #tpu.memory_space<vmem>>, vector<1x1x16xf32>,
        %get3A_397 = vector.shape_cast %get3A_396 : vector<1x1x16xf32> to vector<16xf32>
        %mul3A_398 = arith.constant 8.000000e+00 : f32
        %mul3A_399 = vector.broadcast %mul3A_398 : f32 to vector<16xf32>
        %mul3A_400 = arith.mulf %get3A_397, %mul3A_399 : vector<16xf32>
        %mul3A_401 = arith.constant 2 : i32
        %mul3A_402 = arith.muli %scan3A_293, %mul3A_401 : i32
        %add3A_403 = arith.constant 1 : i32
        %add3A_404 = arith.addi %mul3A_402, %add3A_403 : i32
        %swap3A_405 = arith.constant 1 : i32
        %swap3A_406 = arith.index_cast %swap3A_405 : i32 to index
        %swap3A_407 = arith.index_cast %add3A_404 : i32 to index
        %swap3A_408 = arith.constant 0 : index
        %swap3A_409 = tpu.vector_load %arg6[%swap3A_406, %swap3A_407, %swap3A_408] {strides = array<i32>} : memref<4x320x64xf32, #tpu.memory_space<vmem>>, vector<1x1x16xf32>,
        %swap3A_410 = vector.shape_cast %swap3A_409 : vector<1x1x16xf32> to vector<16xf32>
        %swap3A_411 = vector.shape_cast %mul3A_400 : vector<16xf32> to vector<1x1x16xf32>
        tpu.vector_store %arg6[%swap3A_406, %swap3A_407, %swap3A_408], %swap3A_411 {strides = array<i32>} : memref<4x320x64xf32, #tpu.memory_space<vmem>>, vector<1x1x16xf32>,
        %mul3A_412 = arith.constant 2 : i32
        %mul3A_413 = arith.muli %scan3A_293, %mul3A_412 : i32
        %add3A_414 = arith.constant 1 : i32
        %add3A_415 = arith.addi %mul3A_413, %add3A_414 : i32
        %get3A_416 = arith.constant 1 : i32
        %get3A_417 = arith.index_cast %get3A_416 : i32 to index
        %get3A_418 = arith.index_cast %add3A_415 : i32 to index
        %get3A_419 = arith.constant 16 : index
        %get3A_420 = tpu.vector_load %arg6[%get3A_417, %get3A_418, %get3A_419] {strides = array<i32>} : memref<4x320x64xf32, #tpu.memory_space<vmem>>, vector<1x1x16xf32>,
        %get3A_421 = vector.shape_cast %get3A_420 : vector<1x1x16xf32> to vector<16xf32>
        %mul3A_422 = arith.constant 8.000000e+00 : f32
        %mul3A_423 = vector.broadcast %mul3A_422 : f32 to vector<16xf32>
        %mul3A_424 = arith.mulf %get3A_421, %mul3A_423 : vector<16xf32>
        %mul3A_425 = arith.constant 2 : i32
        %mul3A_426 = arith.muli %scan3A_293, %mul3A_425 : i32
        %add3A_427 = arith.constant 1 : i32
        %add3A_428 = arith.addi %mul3A_426, %add3A_427 : i32
        %swap3A_429 = arith.constant 1 : i32
        %swap3A_430 = arith.index_cast %swap3A_429 : i32 to index
        %swap3A_431 = arith.index_cast %add3A_428 : i32 to index
        %swap3A_432 = arith.constant 16 : index
        %swap3A_433 = tpu.vector_load %arg6[%swap3A_430, %swap3A_431, %swap3A_432] {strides = array<i32>} : memref<4x320x64xf32, #tpu.memory_space<vmem>>, vector<1x1x16xf32>,
        %swap3A_434 = vector.shape_cast %swap3A_433 : vector<1x1x16xf32> to vector<16xf32>
        %swap3A_435 = vector.shape_cast %mul3A_424 : vector<16xf32> to vector<1x1x16xf32>
        tpu.vector_store %arg6[%swap3A_430, %swap3A_431, %swap3A_432], %swap3A_435 {strides = array<i32>} : memref<4x320x64xf32, #tpu.memory_space<vmem>>, vector<1x1x16xf32>,
        %mul3A_436 = arith.constant 2 : i32
        %mul3A_437 = arith.muli %scan3A_293, %mul3A_436 : i32
        %add3A_438 = arith.constant 1 : i32
        %add3A_439 = arith.addi %mul3A_437, %add3A_438 : i32
        %get3A_440 = arith.constant 1 : i32
        %get3A_441 = arith.index_cast %get3A_440 : i32 to index
        %get3A_442 = arith.index_cast %add3A_439 : i32 to index
        %get3A_443 = arith.constant 32 : index
        %get3A_444 = tpu.vector_load %arg6[%get3A_441, %get3A_442, %get3A_443] {strides = array<i32>} : memref<4x320x64xf32, #tpu.memory_space<vmem>>, vector<1x1x16xf32>,
        %get3A_445 = vector.shape_cast %get3A_444 : vector<1x1x16xf32> to vector<16xf32>
        %mul3A_446 = arith.constant 8.000000e+00 : f32
        %mul3A_447 = vector.broadcast %mul3A_446 : f32 to vector<16xf32>
        %mul3A_448 = arith.mulf %get3A_445, %mul3A_447 : vector<16xf32>
        %mul3A_449 = arith.constant 2 : i32
        %mul3A_450 = arith.muli %scan3A_293, %mul3A_449 : i32
        %add3A_451 = arith.constant 1 : i32
        %add3A_452 = arith.addi %mul3A_450, %add3A_451 : i32
        %swap3A_453 = arith.constant 1 : i32
        %swap3A_454 = arith.index_cast %swap3A_453 : i32 to index
        %swap3A_455 = arith.index_cast %add3A_452 : i32 to index
        %swap3A_456 = arith.constant 32 : index
        %swap3A_457 = tpu.vector_load %arg6[%swap3A_454, %swap3A_455, %swap3A_456] {strides = array<i32>} : memref<4x320x64xf32, #tpu.memory_space<vmem>>, vector<1x1x16xf32>,
        %swap3A_458 = vector.shape_cast %swap3A_457 : vector<1x1x16xf32> to vector<16xf32>
        %swap3A_459 = vector.shape_cast %mul3A_448 : vector<16xf32> to vector<1x1x16xf32>
        tpu.vector_store %arg6[%swap3A_454, %swap3A_455, %swap3A_456], %swap3A_459 {strides = array<i32>} : memref<4x320x64xf32, #tpu.memory_space<vmem>>, vector<1x1x16xf32>,
        %mul3A_460 = arith.constant 2 : i32
        %mul3A_461 = arith.muli %scan3A_293, %mul3A_460 : i32
        %add3A_462 = arith.constant 1 : i32
        %add3A_463 = arith.addi %mul3A_461, %add3A_462 : i32
        %get3A_464 = arith.constant 1 : i32
        %get3A_465 = arith.index_cast %get3A_464 : i32 to index
        %get3A_466 = arith.index_cast %add3A_463 : i32 to index
        %get3A_467 = arith.constant 48 : index
        %get3A_468 = tpu.vector_load %arg6[%get3A_465, %get3A_466, %get3A_467] {strides = array<i32>} : memref<4x320x64xf32, #tpu.memory_space<vmem>>, vector<1x1x16xf32>,
        %get3A_469 = vector.shape_cast %get3A_468 : vector<1x1x16xf32> to vector<16xf32>
        %mul3A_470 = arith.constant 8.000000e+00 : f32
        %mul3A_471 = vector.broadcast %mul3A_470 : f32 to vector<16xf32>
        %mul3A_472 = arith.mulf %get3A_469, %mul3A_471 : vector<16xf32>
        %mul3A_473 = arith.constant 2 : i32
        %mul3A_474 = arith.muli %scan3A_293, %mul3A_473 : i32
        %add3A_475 = arith.constant 1 : i32
        %add3A_476 = arith.addi %mul3A_474, %add3A_475 : i32
        %swap3A_477 = arith.constant 1 : i32
        %swap3A_478 = arith.index_cast %swap3A_477 : i32 to index
        %swap3A_479 = arith.index_cast %add3A_476 : i32 to index
        %swap3A_480 = arith.constant 48 : index
        %swap3A_481 = tpu.vector_load %arg6[%swap3A_478, %swap3A_479, %swap3A_480] {strides = array<i32>} : memref<4x320x64xf32, #tpu.memory_space<vmem>>, vector<1x1x16xf32>,
        %swap3A_482 = vector.shape_cast %swap3A_481 : vector<1x1x16xf32> to vector<16xf32>
        %swap3A_483 = vector.shape_cast %mul3A_472 : vector<16xf32> to vector<1x1x16xf32>
        tpu.vector_store %arg6[%swap3A_478, %swap3A_479, %swap3A_480], %swap3A_483 {strides = array<i32>} : memref<4x320x64xf32, #tpu.memory_space<vmem>>, vector<1x1x16xf32>,
      }
      %scan3A_145 = arith.constant 160 : i32
      %mul3A_146 = arith.constant 320 : i32
      %mul3A_147 = arith.muli %add3A_125, %mul3A_146 : i32
      %add3A_148 = arith.addi %mul3A_2, %mul3A_147 : i32
      %dma_start3A_149 = arith.constant 1 : i32
      %dma_start3A_150 = arith.constant 1 : i32
      %dma_start3A_151 = arith.constant 0 : i32
      %dma_start3A_152 = arith.constant 0 : i32
      %dma_start3A_153 = tpu.memref_slice %arg6[%dma_start3A_149, %dma_start3A_151, %dma_start3A_152] : memref<4x320x64xf32, #tpu.memory_space<vmem>> -> memref<1x320x64xf32, #tpu.memory_space<vmem>>
      %dma_start3A_154 = tpu.memref_squeeze %dma_start3A_153 : memref<1x320x64xf32, #tpu.memory_space<vmem>> -> memref<320x64xf32, #tpu.memory_space<vmem>>
      %dma_start3A_155 = arith.constant 0 : i32
      %dma_start3A_156 = tpu.memref_slice %arg4[%add3A_148, %dma_start3A_155] : memref<819200x64xf32, #tpu.memory_space<hbm>> -> memref<320x64xf32, #tpu.memory_space<hbm>>
      %dma_start3A_157 = tpu.memref_slice %arg8[%dma_start3A_150] : memref<4x!tpu.dma_semaphore, #tpu.memory_space<semaphore_mem>> -> memref<1x!tpu.dma_semaphore, #tpu.memory_space<semaphore_mem>>
      %dma_start3A_158 = tpu.memref_squeeze %dma_start3A_157 : memref<1x!tpu.dma_semaphore, #tpu.memory_space<semaphore_mem>> -> memref<!tpu.dma_semaphore, #tpu.memory_space<semaphore_mem>>
      %dma_start3A_159 = arith.constant 0 : i32
      %dma_start3A_160 = tpu.memref_slice %arg4[%add3A_148, %dma_start3A_159] : memref<819200x64xf32, #tpu.memory_space<hbm>> -> memref<320x64xf32, #tpu.memory_space<hbm>>
      %dma_start3A_161 = arith.constant 0 : i32
      %dma_start3A_162 = arith.constant 0 : i32
      %dma_start3A_163 = tpu.memref_slice %arg6[%dma_start3A_149, %dma_start3A_161, %dma_start3A_162] : memref<4x320x64xf32, #tpu.memory_space<vmem>> -> memref<1x320x64xf32, #tpu.memory_space<vmem>>
      %dma_start3A_164 = tpu.memref_squeeze %dma_start3A_163 : memref<1x320x64xf32, #tpu.memory_space<vmem>> -> memref<320x64xf32, #tpu.memory_space<vmem>>
      tpu.enqueue_dma source(%dma_start3A_164 : memref<320x64xf32, #tpu.memory_space<vmem>>) target(%dma_start3A_160 : memref<320x64xf32, #tpu.memory_space<hbm>>) target_semaphore(%dma_start3A_158 : memref<!tpu.dma_semaphore, #tpu.memory_space<semaphore_mem>>)
      %add3A_165 = arith.constant 2 : i32
      %add3A_166 = arith.addi %add3A_125, %add3A_165 : i32
      %ge3A_167 = arith.constant 4 : i32
      %ge3A_168 = arith.cmpi sge, %add3A_166, %ge3A_167 : i32
      %convert_element_type3A_169 = arith.extui %ge3A_168 : i1 to i32
      %cond3A_170 = arith.constant 0 : i32
      %cond3A_171 = arith.cmpi ne, %convert_element_type3A_169, %cond3A_170 : i32
      scf.if %cond3A_171 {
        %dma_wait3A_293 = arith.constant 3 : i32
        %dma_wait3A_294 = arith.constant 3 : i32
        %dma_wait3A_295 = arith.constant 0 : i32
        %dma_wait3A_296 = arith.constant 0 : i32
        %dma_wait3A_297 = tpu.memref_slice %arg6[%dma_wait3A_293, %dma_wait3A_295, %dma_wait3A_296] : memref<4x320x64xf32, #tpu.memory_space<vmem>> -> memref<1x320x64xf32, #tpu.memory_space<vmem>>
        %dma_wait3A_298 = tpu.memref_squeeze %dma_wait3A_297 : memref<1x320x64xf32, #tpu.memory_space<vmem>> -> memref<320x64xf32, #tpu.memory_space<vmem>>
        %dma_wait3A_299 = arith.constant 0 : i32
        %dma_wait3A_300 = arith.constant 0 : i32
        %dma_wait3A_301 = tpu.memref_slice %arg4[%dma_wait3A_299, %dma_wait3A_300] : memref<819200x64xf32, #tpu.memory_space<hbm>> -> memref<320x64xf32, #tpu.memory_space<hbm>>
        %dma_wait3A_302 = tpu.memref_slice %arg8[%dma_wait3A_294] : memref<4x!tpu.dma_semaphore, #tpu.memory_space<semaphore_mem>> -> memref<1x!tpu.dma_semaphore, #tpu.memory_space<semaphore_mem>>
        %dma_wait3A_303 = tpu.memref_squeeze %dma_wait3A_302 : memref<1x!tpu.dma_semaphore, #tpu.memory_space<semaphore_mem>> -> memref<!tpu.dma_semaphore, #tpu.memory_space<semaphore_mem>>
        %dma_wait3A_304 = arith.constant 0 : i32
        %dma_wait3A_305 = arith.constant 0 : i32
        %dma_wait3A_306 = tpu.memref_slice %arg4[%dma_wait3A_304, %dma_wait3A_305] : memref<819200x64xf32, #tpu.memory_space<hbm>> -> memref<320x64xf32, #tpu.memory_space<hbm>>
        %dma_wait3A_307 = arith.constant 0 : i32
        %dma_wait3A_308 = arith.constant 0 : i32
        %dma_wait3A_309 = tpu.memref_slice %arg6[%dma_wait3A_293, %dma_wait3A_307, %dma_wait3A_308] : memref<4x320x64xf32, #tpu.memory_space<vmem>> -> memref<1x320x64xf32, #tpu.memory_space<vmem>>
        %dma_wait3A_310 = tpu.memref_squeeze %dma_wait3A_309 : memref<1x320x64xf32, #tpu.memory_space<vmem>> -> memref<320x64xf32, #tpu.memory_space<vmem>>
        tpu.wait_dma2 semaphore(%dma_wait3A_303 : memref<!tpu.dma_semaphore, #tpu.memory_space<semaphore_mem>>) src(%dma_wait3A_310 : memref<320x64xf32, #tpu.memory_space<vmem>>) dst(%dma_wait3A_306 : memref<320x64xf32, #tpu.memory_space<hbm>>)
      } else {
      }
      %add3A_172 = arith.constant 2 : i32
      %add3A_173 = arith.addi %add3A_125, %add3A_172 : i32
      %lt3A_174 = arith.constant 80 : i32
      %lt3A_175 = arith.cmpi slt, %add3A_173, %lt3A_174 : i32
      %convert_element_type3A_176 = arith.extui %lt3A_175 : i1 to i32
      %cond3A_177 = arith.constant 0 : i32
      %cond3A_178 = arith.cmpi ne, %convert_element_type3A_176, %cond3A_177 : i32
      scf.if %cond3A_178 {
        %add3A_293 = arith.constant 2 : i32
        %add3A_294 = arith.addi %add3A_125, %add3A_293 : i32
        %mul3A_295 = arith.constant 320 : i32
        %mul3A_296 = arith.muli %add3A_294, %mul3A_295 : i32
        %dma_start3A_297 = arith.constant 3 : i32
        %dma_start3A_298 = arith.constant 3 : i32
        %dma_start3A_299 = arith.constant 0 : i32
        %dma_start3A_300 = arith.constant 0 : i32
        %dma_start3A_301 = tpu.memref_slice %arg6[%dma_start3A_297, %dma_start3A_299, %dma_start3A_300] : memref<4x320x64xf32, #tpu.memory_space<vmem>> -> memref<1x320x64xf32, #tpu.memory_space<vmem>>
        %dma_start3A_302 = tpu.memref_squeeze %dma_start3A_301 : memref<1x320x64xf32, #tpu.memory_space<vmem>> -> memref<320x64xf32, #tpu.memory_space<vmem>>
        %dma_start3A_303 = tpu.memref_slice %arg5[%mul3A_296] : memref<25600xi32, #tpu.memory_space<vmem>> -> memref<320xi32, #tpu.memory_space<vmem>>
        %dma_start3A_304 = arith.constant 0 : i32
        %dma_start3A_305 = arith.constant 0 : i32
        %dma_start3A_306 = tpu.memref_slice %arg3[%dma_start3A_304, %dma_start3A_305] : memref<1000000x64xf32, #tpu.memory_space<hbm>> -> memref<1000000x64xf32, #tpu.memory_space<hbm>>
        %dma_start3A_307 = tpu.memref_slice %arg7[%dma_start3A_298] : memref<4x!tpu.dma_semaphore, #tpu.memory_space<semaphore_mem>> -> memref<1x!tpu.dma_semaphore, #tpu.memory_space<semaphore_mem>>
        %dma_start3A_308 = tpu.memref_squeeze %dma_start3A_307 : memref<1x!tpu.dma_semaphore, #tpu.memory_space<semaphore_mem>> -> memref<!tpu.dma_semaphore, #tpu.memory_space<semaphore_mem>>
        tpu.enqueue_indirect_dma source(%dma_start3A_306 : memref<1000000x64xf32, #tpu.memory_space<hbm>>) target(%dma_start3A_302 : memref<320x64xf32, #tpu.memory_space<vmem>>) offsets(%dma_start3A_303 : memref<320xi32, #tpu.memory_space<vmem>>) semaphore(%dma_start3A_308 : memref<!tpu.dma_semaphore, #tpu.memory_space<semaphore_mem>>)
      } else {
      }
      %mul3A_179 = arith.constant 4 : i32
      %mul3A_180 = arith.muli %scan3A_68, %mul3A_179 : i32
      %add3A_181 = arith.constant 2 : i32
      %add3A_182 = arith.addi %mul3A_180, %add3A_181 : i32
      %mul3A_183 = arith.constant 320 : i32
      %mul3A_184 = arith.muli %add3A_182, %mul3A_183 : i32
      %dma_wait3A_185 = arith.constant 2 : i32
      %dma_wait3A_186 = arith.constant 2 : i32
      %dma_wait3A_187 = arith.constant 0 : i32
      %dma_wait3A_188 = arith.constant 0 : i32
      %dma_wait3A_189 = tpu.memref_slice %arg6[%dma_wait3A_185, %dma_wait3A_187, %dma_wait3A_188] : memref<4x320x64xf32, #tpu.memory_space<vmem>> -> memref<1x320x64xf32, #tpu.memory_space<vmem>>
      %dma_wait3A_190 = tpu.memref_squeeze %dma_wait3A_189 : memref<1x320x64xf32, #tpu.memory_space<vmem>> -> memref<320x64xf32, #tpu.memory_space<vmem>>
      %dma_wait3A_191 = tpu.memref_slice %arg5[%mul3A_184] : memref<25600xi32, #tpu.memory_space<vmem>> -> memref<320xi32, #tpu.memory_space<vmem>>
      %dma_wait3A_192 = arith.constant 0 : i32
      %dma_wait3A_193 = arith.constant 0 : i32
      %dma_wait3A_194 = tpu.memref_slice %arg3[%dma_wait3A_192, %dma_wait3A_193] : memref<1000000x64xf32, #tpu.memory_space<hbm>> -> memref<1000000x64xf32, #tpu.memory_space<hbm>>
      %dma_wait3A_195 = tpu.memref_slice %arg7[%dma_wait3A_186] : memref<4x!tpu.dma_semaphore, #tpu.memory_space<semaphore_mem>> -> memref<1x!tpu.dma_semaphore, #tpu.memory_space<semaphore_mem>>
      %dma_wait3A_196 = tpu.memref_squeeze %dma_wait3A_195 : memref<1x!tpu.dma_semaphore, #tpu.memory_space<semaphore_mem>> -> memref<!tpu.dma_semaphore, #tpu.memory_space<semaphore_mem>>
      tpu.wait_indirect_dma semaphore(%dma_wait3A_196 : memref<!tpu.dma_semaphore, #tpu.memory_space<semaphore_mem>>) src(%dma_wait3A_194 : memref<1000000x64xf32, #tpu.memory_space<hbm>>) dst(%dma_wait3A_190 : memref<320x64xf32, #tpu.memory_space<vmem>>)
      %scan3A_197 = arith.constant 0 : i32
      %scan3A_198 = arith.constant 0 : i32
      %scan3A_199 = arith.constant 160 : i32
      %scan3A_200 = arith.addi %scan3A_198, %scan3A_199 : i32
      %scan3A_201 = arith.constant 1 : i32
      scf.for %scan3A_293 = %scan3A_198 to %scan3A_200 step %scan3A_201  : i32 {
        %mul3A_294 = arith.constant 2 : i32
        %mul3A_295 = arith.muli %scan3A_293, %mul3A_294 : i32
        %add3A_296 = arith.constant 0 : i32
        %add3A_297 = arith.addi %mul3A_295, %add3A_296 : i32
        %get3A = arith.constant 2 : i32
        %get3A_298 = arith.index_cast %get3A : i32 to index
        %get3A_299 = arith.index_cast %add3A_297 : i32 to index
        %get3A_300 = arith.constant 0 : index
        %get3A_301 = tpu.vector_load %arg6[%get3A_298, %get3A_299, %get3A_300] {strides = array<i32>} : memref<4x320x64xf32, #tpu.memory_space<vmem>>, vector<1x1x16xf32>,
        %get3A_302 = vector.shape_cast %get3A_301 : vector<1x1x16xf32> to vector<16xf32>
        %mul3A_303 = arith.constant 8.000000e+00 : f32
        %mul3A_304 = vector.broadcast %mul3A_303 : f32 to vector<16xf32>
        %mul3A_305 = arith.mulf %get3A_302, %mul3A_304 : vector<16xf32>
        %mul3A_306 = arith.constant 2 : i32
        %mul3A_307 = arith.muli %scan3A_293, %mul3A_306 : i32
        %add3A_308 = arith.constant 0 : i32
        %add3A_309 = arith.addi %mul3A_307, %add3A_308 : i32
        %swap3A = arith.constant 2 : i32
        %swap3A_310 = arith.index_cast %swap3A : i32 to index
        %swap3A_311 = arith.index_cast %add3A_309 : i32 to index
        %swap3A_312 = arith.constant 0 : index
        %swap3A_313 = tpu.vector_load %arg6[%swap3A_310, %swap3A_311, %swap3A_312] {strides = array<i32>} : memref<4x320x64xf32, #tpu.memory_space<vmem>>, vector<1x1x16xf32>,
        %swap3A_314 = vector.shape_cast %swap3A_313 : vector<1x1x16xf32> to vector<16xf32>
        %swap3A_315 = vector.shape_cast %mul3A_305 : vector<16xf32> to vector<1x1x16xf32>
        tpu.vector_store %arg6[%swap3A_310, %swap3A_311, %swap3A_312], %swap3A_315 {strides = array<i32>} : memref<4x320x64xf32, #tpu.memory_space<vmem>>, vector<1x1x16xf32>,
        %mul3A_316 = arith.constant 2 : i32
        %mul3A_317 = arith.muli %scan3A_293, %mul3A_316 : i32
        %add3A_318 = arith.constant 0 : i32
        %add3A_319 = arith.addi %mul3A_317, %add3A_318 : i32
        %get3A_320 = arith.constant 2 : i32
        %get3A_321 = arith.index_cast %get3A_320 : i32 to index
        %get3A_322 = arith.index_cast %add3A_319 : i32 to index
        %get3A_323 = arith.constant 16 : index
        %get3A_324 = tpu.vector_load %arg6[%get3A_321, %get3A_322, %get3A_323] {strides = array<i32>} : memref<4x320x64xf32, #tpu.memory_space<vmem>>, vector<1x1x16xf32>,
        %get3A_325 = vector.shape_cast %get3A_324 : vector<1x1x16xf32> to vector<16xf32>
        %mul3A_326 = arith.constant 8.000000e+00 : f32
        %mul3A_327 = vector.broadcast %mul3A_326 : f32 to vector<16xf32>
        %mul3A_328 = arith.mulf %get3A_325, %mul3A_327 : vector<16xf32>
        %mul3A_329 = arith.constant 2 : i32
        %mul3A_330 = arith.muli %scan3A_293, %mul3A_329 : i32
        %add3A_331 = arith.constant 0 : i32
        %add3A_332 = arith.addi %mul3A_330, %add3A_331 : i32
        %swap3A_333 = arith.constant 2 : i32
        %swap3A_334 = arith.index_cast %swap3A_333 : i32 to index
        %swap3A_335 = arith.index_cast %add3A_332 : i32 to index
        %swap3A_336 = arith.constant 16 : index
        %swap3A_337 = tpu.vector_load %arg6[%swap3A_334, %swap3A_335, %swap3A_336] {strides = array<i32>} : memref<4x320x64xf32, #tpu.memory_space<vmem>>, vector<1x1x16xf32>,
        %swap3A_338 = vector.shape_cast %swap3A_337 : vector<1x1x16xf32> to vector<16xf32>
        %swap3A_339 = vector.shape_cast %mul3A_328 : vector<16xf32> to vector<1x1x16xf32>
        tpu.vector_store %arg6[%swap3A_334, %swap3A_335, %swap3A_336], %swap3A_339 {strides = array<i32>} : memref<4x320x64xf32, #tpu.memory_space<vmem>>, vector<1x1x16xf32>,
        %mul3A_340 = arith.constant 2 : i32
        %mul3A_341 = arith.muli %scan3A_293, %mul3A_340 : i32
        %add3A_342 = arith.constant 0 : i32
        %add3A_343 = arith.addi %mul3A_341, %add3A_342 : i32
        %get3A_344 = arith.constant 2 : i32
        %get3A_345 = arith.index_cast %get3A_344 : i32 to index
        %get3A_346 = arith.index_cast %add3A_343 : i32 to index
        %get3A_347 = arith.constant 32 : index
        %get3A_348 = tpu.vector_load %arg6[%get3A_345, %get3A_346, %get3A_347] {strides = array<i32>} : memref<4x320x64xf32, #tpu.memory_space<vmem>>, vector<1x1x16xf32>,
        %get3A_349 = vector.shape_cast %get3A_348 : vector<1x1x16xf32> to vector<16xf32>
        %mul3A_350 = arith.constant 8.000000e+00 : f32
        %mul3A_351 = vector.broadcast %mul3A_350 : f32 to vector<16xf32>
        %mul3A_352 = arith.mulf %get3A_349, %mul3A_351 : vector<16xf32>
        %mul3A_353 = arith.constant 2 : i32
        %mul3A_354 = arith.muli %scan3A_293, %mul3A_353 : i32
        %add3A_355 = arith.constant 0 : i32
        %add3A_356 = arith.addi %mul3A_354, %add3A_355 : i32
        %swap3A_357 = arith.constant 2 : i32
        %swap3A_358 = arith.index_cast %swap3A_357 : i32 to index
        %swap3A_359 = arith.index_cast %add3A_356 : i32 to index
        %swap3A_360 = arith.constant 32 : index
        %swap3A_361 = tpu.vector_load %arg6[%swap3A_358, %swap3A_359, %swap3A_360] {strides = array<i32>} : memref<4x320x64xf32, #tpu.memory_space<vmem>>, vector<1x1x16xf32>,
        %swap3A_362 = vector.shape_cast %swap3A_361 : vector<1x1x16xf32> to vector<16xf32>
        %swap3A_363 = vector.shape_cast %mul3A_352 : vector<16xf32> to vector<1x1x16xf32>
        tpu.vector_store %arg6[%swap3A_358, %swap3A_359, %swap3A_360], %swap3A_363 {strides = array<i32>} : memref<4x320x64xf32, #tpu.memory_space<vmem>>, vector<1x1x16xf32>,
        %mul3A_364 = arith.constant 2 : i32
        %mul3A_365 = arith.muli %scan3A_293, %mul3A_364 : i32
        %add3A_366 = arith.constant 0 : i32
        %add3A_367 = arith.addi %mul3A_365, %add3A_366 : i32
        %get3A_368 = arith.constant 2 : i32
        %get3A_369 = arith.index_cast %get3A_368 : i32 to index
        %get3A_370 = arith.index_cast %add3A_367 : i32 to index
        %get3A_371 = arith.constant 48 : index
        %get3A_372 = tpu.vector_load %arg6[%get3A_369, %get3A_370, %get3A_371] {strides = array<i32>} : memref<4x320x64xf32, #tpu.memory_space<vmem>>, vector<1x1x16xf32>,
        %get3A_373 = vector.shape_cast %get3A_372 : vector<1x1x16xf32> to vector<16xf32>
        %mul3A_374 = arith.constant 8.000000e+00 : f32
        %mul3A_375 = vector.broadcast %mul3A_374 : f32 to vector<16xf32>
        %mul3A_376 = arith.mulf %get3A_373, %mul3A_375 : vector<16xf32>
        %mul3A_377 = arith.constant 2 : i32
        %mul3A_378 = arith.muli %scan3A_293, %mul3A_377 : i32
        %add3A_379 = arith.constant 0 : i32
        %add3A_380 = arith.addi %mul3A_378, %add3A_379 : i32
        %swap3A_381 = arith.constant 2 : i32
        %swap3A_382 = arith.index_cast %swap3A_381 : i32 to index
        %swap3A_383 = arith.index_cast %add3A_380 : i32 to index
        %swap3A_384 = arith.constant 48 : index
        %swap3A_385 = tpu.vector_load %arg6[%swap3A_382, %swap3A_383, %swap3A_384] {strides = array<i32>} : memref<4x320x64xf32, #tpu.memory_space<vmem>>, vector<1x1x16xf32>,
        %swap3A_386 = vector.shape_cast %swap3A_385 : vector<1x1x16xf32> to vector<16xf32>
        %swap3A_387 = vector.shape_cast %mul3A_376 : vector<16xf32> to vector<1x1x16xf32>
        tpu.vector_store %arg6[%swap3A_382, %swap3A_383, %swap3A_384], %swap3A_387 {strides = array<i32>} : memref<4x320x64xf32, #tpu.memory_space<vmem>>, vector<1x1x16xf32>,
        %mul3A_388 = arith.constant 2 : i32
        %mul3A_389 = arith.muli %scan3A_293, %mul3A_388 : i32
        %add3A_390 = arith.constant 1 : i32
        %add3A_391 = arith.addi %mul3A_389, %add3A_390 : i32
        %get3A_392 = arith.constant 2 : i32
        %get3A_393 = arith.index_cast %get3A_392 : i32 to index
        %get3A_394 = arith.index_cast %add3A_391 : i32 to index
        %get3A_395 = arith.constant 0 : index
        %get3A_396 = tpu.vector_load %arg6[%get3A_393, %get3A_394, %get3A_395] {strides = array<i32>} : memref<4x320x64xf32, #tpu.memory_space<vmem>>, vector<1x1x16xf32>,
        %get3A_397 = vector.shape_cast %get3A_396 : vector<1x1x16xf32> to vector<16xf32>
        %mul3A_398 = arith.constant 8.000000e+00 : f32
        %mul3A_399 = vector.broadcast %mul3A_398 : f32 to vector<16xf32>
        %mul3A_400 = arith.mulf %get3A_397, %mul3A_399 : vector<16xf32>
        %mul3A_401 = arith.constant 2 : i32
        %mul3A_402 = arith.muli %scan3A_293, %mul3A_401 : i32
        %add3A_403 = arith.constant 1 : i32
        %add3A_404 = arith.addi %mul3A_402, %add3A_403 : i32
        %swap3A_405 = arith.constant 2 : i32
        %swap3A_406 = arith.index_cast %swap3A_405 : i32 to index
        %swap3A_407 = arith.index_cast %add3A_404 : i32 to index
        %swap3A_408 = arith.constant 0 : index
        %swap3A_409 = tpu.vector_load %arg6[%swap3A_406, %swap3A_407, %swap3A_408] {strides = array<i32>} : memref<4x320x64xf32, #tpu.memory_space<vmem>>, vector<1x1x16xf32>,
        %swap3A_410 = vector.shape_cast %swap3A_409 : vector<1x1x16xf32> to vector<16xf32>
        %swap3A_411 = vector.shape_cast %mul3A_400 : vector<16xf32> to vector<1x1x16xf32>
        tpu.vector_store %arg6[%swap3A_406, %swap3A_407, %swap3A_408], %swap3A_411 {strides = array<i32>} : memref<4x320x64xf32, #tpu.memory_space<vmem>>, vector<1x1x16xf32>,
        %mul3A_412 = arith.constant 2 : i32
        %mul3A_413 = arith.muli %scan3A_293, %mul3A_412 : i32
        %add3A_414 = arith.constant 1 : i32
        %add3A_415 = arith.addi %mul3A_413, %add3A_414 : i32
        %get3A_416 = arith.constant 2 : i32
        %get3A_417 = arith.index_cast %get3A_416 : i32 to index
        %get3A_418 = arith.index_cast %add3A_415 : i32 to index
        %get3A_419 = arith.constant 16 : index
        %get3A_420 = tpu.vector_load %arg6[%get3A_417, %get3A_418, %get3A_419] {strides = array<i32>} : memref<4x320x64xf32, #tpu.memory_space<vmem>>, vector<1x1x16xf32>,
        %get3A_421 = vector.shape_cast %get3A_420 : vector<1x1x16xf32> to vector<16xf32>
        %mul3A_422 = arith.constant 8.000000e+00 : f32
        %mul3A_423 = vector.broadcast %mul3A_422 : f32 to vector<16xf32>
        %mul3A_424 = arith.mulf %get3A_421, %mul3A_423 : vector<16xf32>
        %mul3A_425 = arith.constant 2 : i32
        %mul3A_426 = arith.muli %scan3A_293, %mul3A_425 : i32
        %add3A_427 = arith.constant 1 : i32
        %add3A_428 = arith.addi %mul3A_426, %add3A_427 : i32
        %swap3A_429 = arith.constant 2 : i32
        %swap3A_430 = arith.index_cast %swap3A_429 : i32 to index
        %swap3A_431 = arith.index_cast %add3A_428 : i32 to index
        %swap3A_432 = arith.constant 16 : index
        %swap3A_433 = tpu.vector_load %arg6[%swap3A_430, %swap3A_431, %swap3A_432] {strides = array<i32>} : memref<4x320x64xf32, #tpu.memory_space<vmem>>, vector<1x1x16xf32>,
        %swap3A_434 = vector.shape_cast %swap3A_433 : vector<1x1x16xf32> to vector<16xf32>
        %swap3A_435 = vector.shape_cast %mul3A_424 : vector<16xf32> to vector<1x1x16xf32>
        tpu.vector_store %arg6[%swap3A_430, %swap3A_431, %swap3A_432], %swap3A_435 {strides = array<i32>} : memref<4x320x64xf32, #tpu.memory_space<vmem>>, vector<1x1x16xf32>,
        %mul3A_436 = arith.constant 2 : i32
        %mul3A_437 = arith.muli %scan3A_293, %mul3A_436 : i32
        %add3A_438 = arith.constant 1 : i32
        %add3A_439 = arith.addi %mul3A_437, %add3A_438 : i32
        %get3A_440 = arith.constant 2 : i32
        %get3A_441 = arith.index_cast %get3A_440 : i32 to index
        %get3A_442 = arith.index_cast %add3A_439 : i32 to index
        %get3A_443 = arith.constant 32 : index
        %get3A_444 = tpu.vector_load %arg6[%get3A_441, %get3A_442, %get3A_443] {strides = array<i32>} : memref<4x320x64xf32, #tpu.memory_space<vmem>>, vector<1x1x16xf32>,
        %get3A_445 = vector.shape_cast %get3A_444 : vector<1x1x16xf32> to vector<16xf32>
        %mul3A_446 = arith.constant 8.000000e+00 : f32
        %mul3A_447 = vector.broadcast %mul3A_446 : f32 to vector<16xf32>
        %mul3A_448 = arith.mulf %get3A_445, %mul3A_447 : vector<16xf32>
        %mul3A_449 = arith.constant 2 : i32
        %mul3A_450 = arith.muli %scan3A_293, %mul3A_449 : i32
        %add3A_451 = arith.constant 1 : i32
        %add3A_452 = arith.addi %mul3A_450, %add3A_451 : i32
        %swap3A_453 = arith.constant 2 : i32
        %swap3A_454 = arith.index_cast %swap3A_453 : i32 to index
        %swap3A_455 = arith.index_cast %add3A_452 : i32 to index
        %swap3A_456 = arith.constant 32 : index
        %swap3A_457 = tpu.vector_load %arg6[%swap3A_454, %swap3A_455, %swap3A_456] {strides = array<i32>} : memref<4x320x64xf32, #tpu.memory_space<vmem>>, vector<1x1x16xf32>,
        %swap3A_458 = vector.shape_cast %swap3A_457 : vector<1x1x16xf32> to vector<16xf32>
        %swap3A_459 = vector.shape_cast %mul3A_448 : vector<16xf32> to vector<1x1x16xf32>
        tpu.vector_store %arg6[%swap3A_454, %swap3A_455, %swap3A_456], %swap3A_459 {strides = array<i32>} : memref<4x320x64xf32, #tpu.memory_space<vmem>>, vector<1x1x16xf32>,
        %mul3A_460 = arith.constant 2 : i32
        %mul3A_461 = arith.muli %scan3A_293, %mul3A_460 : i32
        %add3A_462 = arith.constant 1 : i32
        %add3A_463 = arith.addi %mul3A_461, %add3A_462 : i32
        %get3A_464 = arith.constant 2 : i32
        %get3A_465 = arith.index_cast %get3A_464 : i32 to index
        %get3A_466 = arith.index_cast %add3A_463 : i32 to index
        %get3A_467 = arith.constant 48 : index
        %get3A_468 = tpu.vector_load %arg6[%get3A_465, %get3A_466, %get3A_467] {strides = array<i32>} : memref<4x320x64xf32, #tpu.memory_space<vmem>>, vector<1x1x16xf32>,
        %get3A_469 = vector.shape_cast %get3A_468 : vector<1x1x16xf32> to vector<16xf32>
        %mul3A_470 = arith.constant 8.000000e+00 : f32
        %mul3A_471 = vector.broadcast %mul3A_470 : f32 to vector<16xf32>
        %mul3A_472 = arith.mulf %get3A_469, %mul3A_471 : vector<16xf32>
        %mul3A_473 = arith.constant 2 : i32
        %mul3A_474 = arith.muli %scan3A_293, %mul3A_473 : i32
        %add3A_475 = arith.constant 1 : i32
        %add3A_476 = arith.addi %mul3A_474, %add3A_475 : i32
        %swap3A_477 = arith.constant 2 : i32
        %swap3A_478 = arith.index_cast %swap3A_477 : i32 to index
        %swap3A_479 = arith.index_cast %add3A_476 : i32 to index
        %swap3A_480 = arith.constant 48 : index
        %swap3A_481 = tpu.vector_load %arg6[%swap3A_478, %swap3A_479, %swap3A_480] {strides = array<i32>} : memref<4x320x64xf32, #tpu.memory_space<vmem>>, vector<1x1x16xf32>,
        %swap3A_482 = vector.shape_cast %swap3A_481 : vector<1x1x16xf32> to vector<16xf32>
        %swap3A_483 = vector.shape_cast %mul3A_472 : vector<16xf32> to vector<1x1x16xf32>
        tpu.vector_store %arg6[%swap3A_478, %swap3A_479, %swap3A_480], %swap3A_483 {strides = array<i32>} : memref<4x320x64xf32, #tpu.memory_space<vmem>>, vector<1x1x16xf32>,
      }
      %scan3A_202 = arith.constant 160 : i32
      %mul3A_203 = arith.constant 320 : i32
      %mul3A_204 = arith.muli %add3A_182, %mul3A_203 : i32
      %add3A_205 = arith.addi %mul3A_2, %mul3A_204 : i32
      %dma_start3A_206 = arith.constant 2 : i32
      %dma_start3A_207 = arith.constant 2 : i32
      %dma_start3A_208 = arith.constant 0 : i32
      %dma_start3A_209 = arith.constant 0 : i32
      %dma_start3A_210 = tpu.memref_slice %arg6[%dma_start3A_206, %dma_start3A_208, %dma_start3A_209] : memref<4x320x64xf32, #tpu.memory_space<vmem>> -> memref<1x320x64xf32, #tpu.memory_space<vmem>>
      %dma_start3A_211 = tpu.memref_squeeze %dma_start3A_210 : memref<1x320x64xf32, #tpu.memory_space<vmem>> -> memref<320x64xf32, #tpu.memory_space<vmem>>
      %dma_start3A_212 = arith.constant 0 : i32
      %dma_start3A_213 = tpu.memref_slice %arg4[%add3A_205, %dma_start3A_212] : memref<819200x64xf32, #tpu.memory_space<hbm>> -> memref<320x64xf32, #tpu.memory_space<hbm>>
      %dma_start3A_214 = tpu.memref_slice %arg8[%dma_start3A_207] : memref<4x!tpu.dma_semaphore, #tpu.memory_space<semaphore_mem>> -> memref<1x!tpu.dma_semaphore, #tpu.memory_space<semaphore_mem>>
      %dma_start3A_215 = tpu.memref_squeeze %dma_start3A_214 : memref<1x!tpu.dma_semaphore, #tpu.memory_space<semaphore_mem>> -> memref<!tpu.dma_semaphore, #tpu.memory_space<semaphore_mem>>
      %dma_start3A_216 = arith.constant 0 : i32
      %dma_start3A_217 = tpu.memref_slice %arg4[%add3A_205, %dma_start3A_216] : memref<819200x64xf32, #tpu.memory_space<hbm>> -> memref<320x64xf32, #tpu.memory_space<hbm>>
      %dma_start3A_218 = arith.constant 0 : i32
      %dma_start3A_219 = arith.constant 0 : i32
      %dma_start3A_220 = tpu.memref_slice %arg6[%dma_start3A_206, %dma_start3A_218, %dma_start3A_219] : memref<4x320x64xf32, #tpu.memory_space<vmem>> -> memref<1x320x64xf32, #tpu.memory_space<vmem>>
      %dma_start3A_221 = tpu.memref_squeeze %dma_start3A_220 : memref<1x320x64xf32, #tpu.memory_space<vmem>> -> memref<320x64xf32, #tpu.memory_space<vmem>>
      tpu.enqueue_dma source(%dma_start3A_221 : memref<320x64xf32, #tpu.memory_space<vmem>>) target(%dma_start3A_217 : memref<320x64xf32, #tpu.memory_space<hbm>>) target_semaphore(%dma_start3A_215 : memref<!tpu.dma_semaphore, #tpu.memory_space<semaphore_mem>>)
      %add3A_222 = arith.constant 2 : i32
      %add3A_223 = arith.addi %add3A_182, %add3A_222 : i32
      %ge3A_224 = arith.constant 4 : i32
      %ge3A_225 = arith.cmpi sge, %add3A_223, %ge3A_224 : i32
      %convert_element_type3A_226 = arith.extui %ge3A_225 : i1 to i32
      %cond3A_227 = arith.constant 0 : i32
      %cond3A_228 = arith.cmpi ne, %convert_element_type3A_226, %cond3A_227 : i32
      scf.if %cond3A_228 {
        %dma_wait3A_293 = arith.constant 0 : i32
        %dma_wait3A_294 = arith.constant 0 : i32
        %dma_wait3A_295 = arith.constant 0 : i32
        %dma_wait3A_296 = arith.constant 0 : i32
        %dma_wait3A_297 = tpu.memref_slice %arg6[%dma_wait3A_293, %dma_wait3A_295, %dma_wait3A_296] : memref<4x320x64xf32, #tpu.memory_space<vmem>> -> memref<1x320x64xf32, #tpu.memory_space<vmem>>
        %dma_wait3A_298 = tpu.memref_squeeze %dma_wait3A_297 : memref<1x320x64xf32, #tpu.memory_space<vmem>> -> memref<320x64xf32, #tpu.memory_space<vmem>>
        %dma_wait3A_299 = arith.constant 0 : i32
        %dma_wait3A_300 = arith.constant 0 : i32
        %dma_wait3A_301 = tpu.memref_slice %arg4[%dma_wait3A_299, %dma_wait3A_300] : memref<819200x64xf32, #tpu.memory_space<hbm>> -> memref<320x64xf32, #tpu.memory_space<hbm>>
        %dma_wait3A_302 = tpu.memref_slice %arg8[%dma_wait3A_294] : memref<4x!tpu.dma_semaphore, #tpu.memory_space<semaphore_mem>> -> memref<1x!tpu.dma_semaphore, #tpu.memory_space<semaphore_mem>>
        %dma_wait3A_303 = tpu.memref_squeeze %dma_wait3A_302 : memref<1x!tpu.dma_semaphore, #tpu.memory_space<semaphore_mem>> -> memref<!tpu.dma_semaphore, #tpu.memory_space<semaphore_mem>>
        %dma_wait3A_304 = arith.constant 0 : i32
        %dma_wait3A_305 = arith.constant 0 : i32
        %dma_wait3A_306 = tpu.memref_slice %arg4[%dma_wait3A_304, %dma_wait3A_305] : memref<819200x64xf32, #tpu.memory_space<hbm>> -> memref<320x64xf32, #tpu.memory_space<hbm>>
        %dma_wait3A_307 = arith.constant 0 : i32
        %dma_wait3A_308 = arith.constant 0 : i32
        %dma_wait3A_309 = tpu.memref_slice %arg6[%dma_wait3A_293, %dma_wait3A_307, %dma_wait3A_308] : memref<4x320x64xf32, #tpu.memory_space<vmem>> -> memref<1x320x64xf32, #tpu.memory_space<vmem>>
        %dma_wait3A_310 = tpu.memref_squeeze %dma_wait3A_309 : memref<1x320x64xf32, #tpu.memory_space<vmem>> -> memref<320x64xf32, #tpu.memory_space<vmem>>
        tpu.wait_dma2 semaphore(%dma_wait3A_303 : memref<!tpu.dma_semaphore, #tpu.memory_space<semaphore_mem>>) src(%dma_wait3A_310 : memref<320x64xf32, #tpu.memory_space<vmem>>) dst(%dma_wait3A_306 : memref<320x64xf32, #tpu.memory_space<hbm>>)
      } else {
      }
      %add3A_229 = arith.constant 2 : i32
      %add3A_230 = arith.addi %add3A_182, %add3A_229 : i32
      %lt3A_231 = arith.constant 80 : i32
      %lt3A_232 = arith.cmpi slt, %add3A_230, %lt3A_231 : i32
      %convert_element_type3A_233 = arith.extui %lt3A_232 : i1 to i32
      %cond3A_234 = arith.constant 0 : i32
      %cond3A_235 = arith.cmpi ne, %convert_element_type3A_233, %cond3A_234 : i32
      scf.if %cond3A_235 {
        %add3A_293 = arith.constant 2 : i32
        %add3A_294 = arith.addi %add3A_182, %add3A_293 : i32
        %mul3A_295 = arith.constant 320 : i32
        %mul3A_296 = arith.muli %add3A_294, %mul3A_295 : i32
        %dma_start3A_297 = arith.constant 0 : i32
        %dma_start3A_298 = arith.constant 0 : i32
        %dma_start3A_299 = arith.constant 0 : i32
        %dma_start3A_300 = arith.constant 0 : i32
        %dma_start3A_301 = tpu.memref_slice %arg6[%dma_start3A_297, %dma_start3A_299, %dma_start3A_300] : memref<4x320x64xf32, #tpu.memory_space<vmem>> -> memref<1x320x64xf32, #tpu.memory_space<vmem>>
        %dma_start3A_302 = tpu.memref_squeeze %dma_start3A_301 : memref<1x320x64xf32, #tpu.memory_space<vmem>> -> memref<320x64xf32, #tpu.memory_space<vmem>>
        %dma_start3A_303 = tpu.memref_slice %arg5[%mul3A_296] : memref<25600xi32, #tpu.memory_space<vmem>> -> memref<320xi32, #tpu.memory_space<vmem>>
        %dma_start3A_304 = arith.constant 0 : i32
        %dma_start3A_305 = arith.constant 0 : i32
        %dma_start3A_306 = tpu.memref_slice %arg3[%dma_start3A_304, %dma_start3A_305] : memref<1000000x64xf32, #tpu.memory_space<hbm>> -> memref<1000000x64xf32, #tpu.memory_space<hbm>>
        %dma_start3A_307 = tpu.memref_slice %arg7[%dma_start3A_298] : memref<4x!tpu.dma_semaphore, #tpu.memory_space<semaphore_mem>> -> memref<1x!tpu.dma_semaphore, #tpu.memory_space<semaphore_mem>>
        %dma_start3A_308 = tpu.memref_squeeze %dma_start3A_307 : memref<1x!tpu.dma_semaphore, #tpu.memory_space<semaphore_mem>> -> memref<!tpu.dma_semaphore, #tpu.memory_space<semaphore_mem>>
        tpu.enqueue_indirect_dma source(%dma_start3A_306 : memref<1000000x64xf32, #tpu.memory_space<hbm>>) target(%dma_start3A_302 : memref<320x64xf32, #tpu.memory_space<vmem>>) offsets(%dma_start3A_303 : memref<320xi32, #tpu.memory_space<vmem>>) semaphore(%dma_start3A_308 : memref<!tpu.dma_semaphore, #tpu.memory_space<semaphore_mem>>)
      } else {
      }
      %mul3A_236 = arith.constant 4 : i32
      %mul3A_237 = arith.muli %scan3A_68, %mul3A_236 : i32
      %add3A_238 = arith.constant 3 : i32
      %add3A_239 = arith.addi %mul3A_237, %add3A_238 : i32
      %mul3A_240 = arith.constant 320 : i32
      %mul3A_241 = arith.muli %add3A_239, %mul3A_240 : i32
      %dma_wait3A_242 = arith.constant 3 : i32
      %dma_wait3A_243 = arith.constant 3 : i32
      %dma_wait3A_244 = arith.constant 0 : i32
      %dma_wait3A_245 = arith.constant 0 : i32
      %dma_wait3A_246 = tpu.memref_slice %arg6[%dma_wait3A_242, %dma_wait3A_244, %dma_wait3A_245] : memref<4x320x64xf32, #tpu.memory_space<vmem>> -> memref<1x320x64xf32, #tpu.memory_space<vmem>>
      %dma_wait3A_247 = tpu.memref_squeeze %dma_wait3A_246 : memref<1x320x64xf32, #tpu.memory_space<vmem>> -> memref<320x64xf32, #tpu.memory_space<vmem>>
      %dma_wait3A_248 = tpu.memref_slice %arg5[%mul3A_241] : memref<25600xi32, #tpu.memory_space<vmem>> -> memref<320xi32, #tpu.memory_space<vmem>>
      %dma_wait3A_249 = arith.constant 0 : i32
      %dma_wait3A_250 = arith.constant 0 : i32
      %dma_wait3A_251 = tpu.memref_slice %arg3[%dma_wait3A_249, %dma_wait3A_250] : memref<1000000x64xf32, #tpu.memory_space<hbm>> -> memref<1000000x64xf32, #tpu.memory_space<hbm>>
      %dma_wait3A_252 = tpu.memref_slice %arg7[%dma_wait3A_243] : memref<4x!tpu.dma_semaphore, #tpu.memory_space<semaphore_mem>> -> memref<1x!tpu.dma_semaphore, #tpu.memory_space<semaphore_mem>>
      %dma_wait3A_253 = tpu.memref_squeeze %dma_wait3A_252 : memref<1x!tpu.dma_semaphore, #tpu.memory_space<semaphore_mem>> -> memref<!tpu.dma_semaphore, #tpu.memory_space<semaphore_mem>>
      tpu.wait_indirect_dma semaphore(%dma_wait3A_253 : memref<!tpu.dma_semaphore, #tpu.memory_space<semaphore_mem>>) src(%dma_wait3A_251 : memref<1000000x64xf32, #tpu.memory_space<hbm>>) dst(%dma_wait3A_247 : memref<320x64xf32, #tpu.memory_space<vmem>>)
      %scan3A_254 = arith.constant 0 : i32
      %scan3A_255 = arith.constant 0 : i32
      %scan3A_256 = arith.constant 160 : i32
      %scan3A_257 = arith.addi %scan3A_255, %scan3A_256 : i32
      %scan3A_258 = arith.constant 1 : i32
      scf.for %scan3A_293 = %scan3A_255 to %scan3A_257 step %scan3A_258  : i32 {
        %mul3A_294 = arith.constant 2 : i32
        %mul3A_295 = arith.muli %scan3A_293, %mul3A_294 : i32
        %add3A_296 = arith.constant 0 : i32
        %add3A_297 = arith.addi %mul3A_295, %add3A_296 : i32
        %get3A = arith.constant 3 : i32
        %get3A_298 = arith.index_cast %get3A : i32 to index
        %get3A_299 = arith.index_cast %add3A_297 : i32 to index
        %get3A_300 = arith.constant 0 : index
        %get3A_301 = tpu.vector_load %arg6[%get3A_298, %get3A_299, %get3A_300] {strides = array<i32>} : memref<4x320x64xf32, #tpu.memory_space<vmem>>, vector<1x1x16xf32>,
        %get3A_302 = vector.shape_cast %get3A_301 : vector<1x1x16xf32> to vector<16xf32>
        %mul3A_303 = arith.constant 8.000000e+00 : f32
        %mul3A_304 = vector.broadcast %mul3A_303 : f32 to vector<16xf32>
        %mul3A_305 = arith.mulf %get3A_302, %mul3A_304 : vector<16xf32>
        %mul3A_306 = arith.constant 2 : i32
        %mul3A_307 = arith.muli %scan3A_293, %mul3A_306 : i32
        %add3A_308 = arith.constant 0 : i32
        %add3A_309 = arith.addi %mul3A_307, %add3A_308 : i32
        %swap3A = arith.constant 3 : i32
        %swap3A_310 = arith.index_cast %swap3A : i32 to index
        %swap3A_311 = arith.index_cast %add3A_309 : i32 to index
        %swap3A_312 = arith.constant 0 : index
        %swap3A_313 = tpu.vector_load %arg6[%swap3A_310, %swap3A_311, %swap3A_312] {strides = array<i32>} : memref<4x320x64xf32, #tpu.memory_space<vmem>>, vector<1x1x16xf32>,
        %swap3A_314 = vector.shape_cast %swap3A_313 : vector<1x1x16xf32> to vector<16xf32>
        %swap3A_315 = vector.shape_cast %mul3A_305 : vector<16xf32> to vector<1x1x16xf32>
        tpu.vector_store %arg6[%swap3A_310, %swap3A_311, %swap3A_312], %swap3A_315 {strides = array<i32>} : memref<4x320x64xf32, #tpu.memory_space<vmem>>, vector<1x1x16xf32>,
        %mul3A_316 = arith.constant 2 : i32
        %mul3A_317 = arith.muli %scan3A_293, %mul3A_316 : i32
        %add3A_318 = arith.constant 0 : i32
        %add3A_319 = arith.addi %mul3A_317, %add3A_318 : i32
        %get3A_320 = arith.constant 3 : i32
        %get3A_321 = arith.index_cast %get3A_320 : i32 to index
        %get3A_322 = arith.index_cast %add3A_319 : i32 to index
        %get3A_323 = arith.constant 16 : index
        %get3A_324 = tpu.vector_load %arg6[%get3A_321, %get3A_322, %get3A_323] {strides = array<i32>} : memref<4x320x64xf32, #tpu.memory_space<vmem>>, vector<1x1x16xf32>,
        %get3A_325 = vector.shape_cast %get3A_324 : vector<1x1x16xf32> to vector<16xf32>
        %mul3A_326 = arith.constant 8.000000e+00 : f32
        %mul3A_327 = vector.broadcast %mul3A_326 : f32 to vector<16xf32>
        %mul3A_328 = arith.mulf %get3A_325, %mul3A_327 : vector<16xf32>
        %mul3A_329 = arith.constant 2 : i32
        %mul3A_330 = arith.muli %scan3A_293, %mul3A_329 : i32
        %add3A_331 = arith.constant 0 : i32
        %add3A_332 = arith.addi %mul3A_330, %add3A_331 : i32
        %swap3A_333 = arith.constant 3 : i32
        %swap3A_334 = arith.index_cast %swap3A_333 : i32 to index
        %swap3A_335 = arith.index_cast %add3A_332 : i32 to index
        %swap3A_336 = arith.constant 16 : index
        %swap3A_337 = tpu.vector_load %arg6[%swap3A_334, %swap3A_335, %swap3A_336] {strides = array<i32>} : memref<4x320x64xf32, #tpu.memory_space<vmem>>, vector<1x1x16xf32>,
        %swap3A_338 = vector.shape_cast %swap3A_337 : vector<1x1x16xf32> to vector<16xf32>
        %swap3A_339 = vector.shape_cast %mul3A_328 : vector<16xf32> to vector<1x1x16xf32>
        tpu.vector_store %arg6[%swap3A_334, %swap3A_335, %swap3A_336], %swap3A_339 {strides = array<i32>} : memref<4x320x64xf32, #tpu.memory_space<vmem>>, vector<1x1x16xf32>,
        %mul3A_340 = arith.constant 2 : i32
        %mul3A_341 = arith.muli %scan3A_293, %mul3A_340 : i32
        %add3A_342 = arith.constant 0 : i32
        %add3A_343 = arith.addi %mul3A_341, %add3A_342 : i32
        %get3A_344 = arith.constant 3 : i32
        %get3A_345 = arith.index_cast %get3A_344 : i32 to index
        %get3A_346 = arith.index_cast %add3A_343 : i32 to index
        %get3A_347 = arith.constant 32 : index
        %get3A_348 = tpu.vector_load %arg6[%get3A_345, %get3A_346, %get3A_347] {strides = array<i32>} : memref<4x320x64xf32, #tpu.memory_space<vmem>>, vector<1x1x16xf32>,
        %get3A_349 = vector.shape_cast %get3A_348 : vector<1x1x16xf32> to vector<16xf32>
        %mul3A_350 = arith.constant 8.000000e+00 : f32
        %mul3A_351 = vector.broadcast %mul3A_350 : f32 to vector<16xf32>
        %mul3A_352 = arith.mulf %get3A_349, %mul3A_351 : vector<16xf32>
        %mul3A_353 = arith.constant 2 : i32
        %mul3A_354 = arith.muli %scan3A_293, %mul3A_353 : i32
        %add3A_355 = arith.constant 0 : i32
        %add3A_356 = arith.addi %mul3A_354, %add3A_355 : i32
        %swap3A_357 = arith.constant 3 : i32
        %swap3A_358 = arith.index_cast %swap3A_357 : i32 to index
        %swap3A_359 = arith.index_cast %add3A_356 : i32 to index
        %swap3A_360 = arith.constant 32 : index
        %swap3A_361 = tpu.vector_load %arg6[%swap3A_358, %swap3A_359, %swap3A_360] {strides = array<i32>} : memref<4x320x64xf32, #tpu.memory_space<vmem>>, vector<1x1x16xf32>,
        %swap3A_362 = vector.shape_cast %swap3A_361 : vector<1x1x16xf32> to vector<16xf32>
        %swap3A_363 = vector.shape_cast %mul3A_352 : vector<16xf32> to vector<1x1x16xf32>
        tpu.vector_store %arg6[%swap3A_358, %swap3A_359, %swap3A_360], %swap3A_363 {strides = array<i32>} : memref<4x320x64xf32, #tpu.memory_space<vmem>>, vector<1x1x16xf32>,
        %mul3A_364 = arith.constant 2 : i32
        %mul3A_365 = arith.muli %scan3A_293, %mul3A_364 : i32
        %add3A_366 = arith.constant 0 : i32
        %add3A_367 = arith.addi %mul3A_365, %add3A_366 : i32
        %get3A_368 = arith.constant 3 : i32
        %get3A_369 = arith.index_cast %get3A_368 : i32 to index
        %get3A_370 = arith.index_cast %add3A_367 : i32 to index
        %get3A_371 = arith.constant 48 : index
        %get3A_372 = tpu.vector_load %arg6[%get3A_369, %get3A_370, %get3A_371] {strides = array<i32>} : memref<4x320x64xf32, #tpu.memory_space<vmem>>, vector<1x1x16xf32>,
        %get3A_373 = vector.shape_cast %get3A_372 : vector<1x1x16xf32> to vector<16xf32>
        %mul3A_374 = arith.constant 8.000000e+00 : f32
        %mul3A_375 = vector.broadcast %mul3A_374 : f32 to vector<16xf32>
        %mul3A_376 = arith.mulf %get3A_373, %mul3A_375 : vector<16xf32>
        %mul3A_377 = arith.constant 2 : i32
        %mul3A_378 = arith.muli %scan3A_293, %mul3A_377 : i32
        %add3A_379 = arith.constant 0 : i32
        %add3A_380 = arith.addi %mul3A_378, %add3A_379 : i32
        %swap3A_381 = arith.constant 3 : i32
        %swap3A_382 = arith.index_cast %swap3A_381 : i32 to index
        %swap3A_383 = arith.index_cast %add3A_380 : i32 to index
        %swap3A_384 = arith.constant 48 : index
        %swap3A_385 = tpu.vector_load %arg6[%swap3A_382, %swap3A_383, %swap3A_384] {strides = array<i32>} : memref<4x320x64xf32, #tpu.memory_space<vmem>>, vector<1x1x16xf32>,
        %swap3A_386 = vector.shape_cast %swap3A_385 : vector<1x1x16xf32> to vector<16xf32>
        %swap3A_387 = vector.shape_cast %mul3A_376 : vector<16xf32> to vector<1x1x16xf32>
        tpu.vector_store %arg6[%swap3A_382, %swap3A_383, %swap3A_384], %swap3A_387 {strides = array<i32>} : memref<4x320x64xf32, #tpu.memory_space<vmem>>, vector<1x1x16xf32>,
        %mul3A_388 = arith.constant 2 : i32
        %mul3A_389 = arith.muli %scan3A_293, %mul3A_388 : i32
        %add3A_390 = arith.constant 1 : i32
        %add3A_391 = arith.addi %mul3A_389, %add3A_390 : i32
        %get3A_392 = arith.constant 3 : i32
        %get3A_393 = arith.index_cast %get3A_392 : i32 to index
        %get3A_394 = arith.index_cast %add3A_391 : i32 to index
        %get3A_395 = arith.constant 0 : index
        %get3A_396 = tpu.vector_load %arg6[%get3A_393, %get3A_394, %get3A_395] {strides = array<i32>} : memref<4x320x64xf32, #tpu.memory_space<vmem>>, vector<1x1x16xf32>,
        %get3A_397 = vector.shape_cast %get3A_396 : vector<1x1x16xf32> to vector<16xf32>
        %mul3A_398 = arith.constant 8.000000e+00 : f32
        %mul3A_399 = vector.broadcast %mul3A_398 : f32 to vector<16xf32>
        %mul3A_400 = arith.mulf %get3A_397, %mul3A_399 : vector<16xf32>
        %mul3A_401 = arith.constant 2 : i32
        %mul3A_402 = arith.muli %scan3A_293, %mul3A_401 : i32
        %add3A_403 = arith.constant 1 : i32
        %add3A_404 = arith.addi %mul3A_402, %add3A_403 : i32
        %swap3A_405 = arith.constant 3 : i32
        %swap3A_406 = arith.index_cast %swap3A_405 : i32 to index
        %swap3A_407 = arith.index_cast %add3A_404 : i32 to index
        %swap3A_408 = arith.constant 0 : index
        %swap3A_409 = tpu.vector_load %arg6[%swap3A_406, %swap3A_407, %swap3A_408] {strides = array<i32>} : memref<4x320x64xf32, #tpu.memory_space<vmem>>, vector<1x1x16xf32>,
        %swap3A_410 = vector.shape_cast %swap3A_409 : vector<1x1x16xf32> to vector<16xf32>
        %swap3A_411 = vector.shape_cast %mul3A_400 : vector<16xf32> to vector<1x1x16xf32>
        tpu.vector_store %arg6[%swap3A_406, %swap3A_407, %swap3A_408], %swap3A_411 {strides = array<i32>} : memref<4x320x64xf32, #tpu.memory_space<vmem>>, vector<1x1x16xf32>,
        %mul3A_412 = arith.constant 2 : i32
        %mul3A_413 = arith.muli %scan3A_293, %mul3A_412 : i32
        %add3A_414 = arith.constant 1 : i32
        %add3A_415 = arith.addi %mul3A_413, %add3A_414 : i32
        %get3A_416 = arith.constant 3 : i32
        %get3A_417 = arith.index_cast %get3A_416 : i32 to index
        %get3A_418 = arith.index_cast %add3A_415 : i32 to index
        %get3A_419 = arith.constant 16 : index
        %get3A_420 = tpu.vector_load %arg6[%get3A_417, %get3A_418, %get3A_419] {strides = array<i32>} : memref<4x320x64xf32, #tpu.memory_space<vmem>>, vector<1x1x16xf32>,
        %get3A_421 = vector.shape_cast %get3A_420 : vector<1x1x16xf32> to vector<16xf32>
        %mul3A_422 = arith.constant 8.000000e+00 : f32
        %mul3A_423 = vector.broadcast %mul3A_422 : f32 to vector<16xf32>
        %mul3A_424 = arith.mulf %get3A_421, %mul3A_423 : vector<16xf32>
        %mul3A_425 = arith.constant 2 : i32
        %mul3A_426 = arith.muli %scan3A_293, %mul3A_425 : i32
        %add3A_427 = arith.constant 1 : i32
        %add3A_428 = arith.addi %mul3A_426, %add3A_427 : i32
        %swap3A_429 = arith.constant 3 : i32
        %swap3A_430 = arith.index_cast %swap3A_429 : i32 to index
        %swap3A_431 = arith.index_cast %add3A_428 : i32 to index
        %swap3A_432 = arith.constant 16 : index
        %swap3A_433 = tpu.vector_load %arg6[%swap3A_430, %swap3A_431, %swap3A_432] {strides = array<i32>} : memref<4x320x64xf32, #tpu.memory_space<vmem>>, vector<1x1x16xf32>,
        %swap3A_434 = vector.shape_cast %swap3A_433 : vector<1x1x16xf32> to vector<16xf32>
        %swap3A_435 = vector.shape_cast %mul3A_424 : vector<16xf32> to vector<1x1x16xf32>
        tpu.vector_store %arg6[%swap3A_430, %swap3A_431, %swap3A_432], %swap3A_435 {strides = array<i32>} : memref<4x320x64xf32, #tpu.memory_space<vmem>>, vector<1x1x16xf32>,
        %mul3A_436 = arith.constant 2 : i32
        %mul3A_437 = arith.muli %scan3A_293, %mul3A_436 : i32
        %add3A_438 = arith.constant 1 : i32
        %add3A_439 = arith.addi %mul3A_437, %add3A_438 : i32
        %get3A_440 = arith.constant 3 : i32
        %get3A_441 = arith.index_cast %get3A_440 : i32 to index
        %get3A_442 = arith.index_cast %add3A_439 : i32 to index
        %get3A_443 = arith.constant 32 : index
        %get3A_444 = tpu.vector_load %arg6[%get3A_441, %get3A_442, %get3A_443] {strides = array<i32>} : memref<4x320x64xf32, #tpu.memory_space<vmem>>, vector<1x1x16xf32>,
        %get3A_445 = vector.shape_cast %get3A_444 : vector<1x1x16xf32> to vector<16xf32>
        %mul3A_446 = arith.constant 8.000000e+00 : f32
        %mul3A_447 = vector.broadcast %mul3A_446 : f32 to vector<16xf32>
        %mul3A_448 = arith.mulf %get3A_445, %mul3A_447 : vector<16xf32>
        %mul3A_449 = arith.constant 2 : i32
        %mul3A_450 = arith.muli %scan3A_293, %mul3A_449 : i32
        %add3A_451 = arith.constant 1 : i32
        %add3A_452 = arith.addi %mul3A_450, %add3A_451 : i32
        %swap3A_453 = arith.constant 3 : i32
        %swap3A_454 = arith.index_cast %swap3A_453 : i32 to index
        %swap3A_455 = arith.index_cast %add3A_452 : i32 to index
        %swap3A_456 = arith.constant 32 : index
        %swap3A_457 = tpu.vector_load %arg6[%swap3A_454, %swap3A_455, %swap3A_456] {strides = array<i32>} : memref<4x320x64xf32, #tpu.memory_space<vmem>>, vector<1x1x16xf32>,
        %swap3A_458 = vector.shape_cast %swap3A_457 : vector<1x1x16xf32> to vector<16xf32>
        %swap3A_459 = vector.shape_cast %mul3A_448 : vector<16xf32> to vector<1x1x16xf32>
        tpu.vector_store %arg6[%swap3A_454, %swap3A_455, %swap3A_456], %swap3A_459 {strides = array<i32>} : memref<4x320x64xf32, #tpu.memory_space<vmem>>, vector<1x1x16xf32>,
        %mul3A_460 = arith.constant 2 : i32
        %mul3A_461 = arith.muli %scan3A_293, %mul3A_460 : i32
        %add3A_462 = arith.constant 1 : i32
        %add3A_463 = arith.addi %mul3A_461, %add3A_462 : i32
        %get3A_464 = arith.constant 3 : i32
        %get3A_465 = arith.index_cast %get3A_464 : i32 to index
        %get3A_466 = arith.index_cast %add3A_463 : i32 to index
        %get3A_467 = arith.constant 48 : index
        %get3A_468 = tpu.vector_load %arg6[%get3A_465, %get3A_466, %get3A_467] {strides = array<i32>} : memref<4x320x64xf32, #tpu.memory_space<vmem>>, vector<1x1x16xf32>,
        %get3A_469 = vector.shape_cast %get3A_468 : vector<1x1x16xf32> to vector<16xf32>
        %mul3A_470 = arith.constant 8.000000e+00 : f32
        %mul3A_471 = vector.broadcast %mul3A_470 : f32 to vector<16xf32>
        %mul3A_472 = arith.mulf %get3A_469, %mul3A_471 : vector<16xf32>
        %mul3A_473 = arith.constant 2 : i32
        %mul3A_474 = arith.muli %scan3A_293, %mul3A_473 : i32
        %add3A_475 = arith.constant 1 : i32
        %add3A_476 = arith.addi %mul3A_474, %add3A_475 : i32
        %swap3A_477 = arith.constant 3 : i32
        %swap3A_478 = arith.index_cast %swap3A_477 : i32 to index
        %swap3A_479 = arith.index_cast %add3A_476 : i32 to index
        %swap3A_480 = arith.constant 48 : index
        %swap3A_481 = tpu.vector_load %arg6[%swap3A_478, %swap3A_479, %swap3A_480] {strides = array<i32>} : memref<4x320x64xf32, #tpu.memory_space<vmem>>, vector<1x1x16xf32>,
        %swap3A_482 = vector.shape_cast %swap3A_481 : vector<1x1x16xf32> to vector<16xf32>
        %swap3A_483 = vector.shape_cast %mul3A_472 : vector<16xf32> to vector<1x1x16xf32>
        tpu.vector_store %arg6[%swap3A_478, %swap3A_479, %swap3A_480], %swap3A_483 {strides = array<i32>} : memref<4x320x64xf32, #tpu.memory_space<vmem>>, vector<1x1x16xf32>,
      }
      %scan3A_259 = arith.constant 160 : i32
      %mul3A_260 = arith.constant 320 : i32
      %mul3A_261 = arith.muli %add3A_239, %mul3A_260 : i32
      %add3A_262 = arith.addi %mul3A_2, %mul3A_261 : i32
      %dma_start3A_263 = arith.constant 3 : i32
      %dma_start3A_264 = arith.constant 3 : i32
      %dma_start3A_265 = arith.constant 0 : i32
      %dma_start3A_266 = arith.constant 0 : i32
      %dma_start3A_267 = tpu.memref_slice %arg6[%dma_start3A_263, %dma_start3A_265, %dma_start3A_266] : memref<4x320x64xf32, #tpu.memory_space<vmem>> -> memref<1x320x64xf32, #tpu.memory_space<vmem>>
      %dma_start3A_268 = tpu.memref_squeeze %dma_start3A_267 : memref<1x320x64xf32, #tpu.memory_space<vmem>> -> memref<320x64xf32, #tpu.memory_space<vmem>>
      %dma_start3A_269 = arith.constant 0 : i32
      %dma_start3A_270 = tpu.memref_slice %arg4[%add3A_262, %dma_start3A_269] : memref<819200x64xf32, #tpu.memory_space<hbm>> -> memref<320x64xf32, #tpu.memory_space<hbm>>
      %dma_start3A_271 = tpu.memref_slice %arg8[%dma_start3A_264] : memref<4x!tpu.dma_semaphore, #tpu.memory_space<semaphore_mem>> -> memref<1x!tpu.dma_semaphore, #tpu.memory_space<semaphore_mem>>
      %dma_start3A_272 = tpu.memref_squeeze %dma_start3A_271 : memref<1x!tpu.dma_semaphore, #tpu.memory_space<semaphore_mem>> -> memref<!tpu.dma_semaphore, #tpu.memory_space<semaphore_mem>>
      %dma_start3A_273 = arith.constant 0 : i32
      %dma_start3A_274 = tpu.memref_slice %arg4[%add3A_262, %dma_start3A_273] : memref<819200x64xf32, #tpu.memory_space<hbm>> -> memref<320x64xf32, #tpu.memory_space<hbm>>
      %dma_start3A_275 = arith.constant 0 : i32
      %dma_start3A_276 = arith.constant 0 : i32
      %dma_start3A_277 = tpu.memref_slice %arg6[%dma_start3A_263, %dma_start3A_275, %dma_start3A_276] : memref<4x320x64xf32, #tpu.memory_space<vmem>> -> memref<1x320x64xf32, #tpu.memory_space<vmem>>
      %dma_start3A_278 = tpu.memref_squeeze %dma_start3A_277 : memref<1x320x64xf32, #tpu.memory_space<vmem>> -> memref<320x64xf32, #tpu.memory_space<vmem>>
      tpu.enqueue_dma source(%dma_start3A_278 : memref<320x64xf32, #tpu.memory_space<vmem>>) target(%dma_start3A_274 : memref<320x64xf32, #tpu.memory_space<hbm>>) target_semaphore(%dma_start3A_272 : memref<!tpu.dma_semaphore, #tpu.memory_space<semaphore_mem>>)
      %add3A_279 = arith.constant 2 : i32
      %add3A_280 = arith.addi %add3A_239, %add3A_279 : i32
      %ge3A_281 = arith.constant 4 : i32
      %ge3A_282 = arith.cmpi sge, %add3A_280, %ge3A_281 : i32
      %convert_element_type3A_283 = arith.extui %ge3A_282 : i1 to i32
      %cond3A_284 = arith.constant 0 : i32
      %cond3A_285 = arith.cmpi ne, %convert_element_type3A_283, %cond3A_284 : i32
      scf.if %cond3A_285 {
        %dma_wait3A_293 = arith.constant 1 : i32
        %dma_wait3A_294 = arith.constant 1 : i32
        %dma_wait3A_295 = arith.constant 0 : i32
        %dma_wait3A_296 = arith.constant 0 : i32
        %dma_wait3A_297 = tpu.memref_slice %arg6[%dma_wait3A_293, %dma_wait3A_295, %dma_wait3A_296] : memref<4x320x64xf32, #tpu.memory_space<vmem>> -> memref<1x320x64xf32, #tpu.memory_space<vmem>>
        %dma_wait3A_298 = tpu.memref_squeeze %dma_wait3A_297 : memref<1x320x64xf32, #tpu.memory_space<vmem>> -> memref<320x64xf32, #tpu.memory_space<vmem>>
        %dma_wait3A_299 = arith.constant 0 : i32
        %dma_wait3A_300 = arith.constant 0 : i32
        %dma_wait3A_301 = tpu.memref_slice %arg4[%dma_wait3A_299, %dma_wait3A_300] : memref<819200x64xf32, #tpu.memory_space<hbm>> -> memref<320x64xf32, #tpu.memory_space<hbm>>
        %dma_wait3A_302 = tpu.memref_slice %arg8[%dma_wait3A_294] : memref<4x!tpu.dma_semaphore, #tpu.memory_space<semaphore_mem>> -> memref<1x!tpu.dma_semaphore, #tpu.memory_space<semaphore_mem>>
        %dma_wait3A_303 = tpu.memref_squeeze %dma_wait3A_302 : memref<1x!tpu.dma_semaphore, #tpu.memory_space<semaphore_mem>> -> memref<!tpu.dma_semaphore, #tpu.memory_space<semaphore_mem>>
        %dma_wait3A_304 = arith.constant 0 : i32
        %dma_wait3A_305 = arith.constant 0 : i32
        %dma_wait3A_306 = tpu.memref_slice %arg4[%dma_wait3A_304, %dma_wait3A_305] : memref<819200x64xf32, #tpu.memory_space<hbm>> -> memref<320x64xf32, #tpu.memory_space<hbm>>
        %dma_wait3A_307 = arith.constant 0 : i32
        %dma_wait3A_308 = arith.constant 0 : i32
        %dma_wait3A_309 = tpu.memref_slice %arg6[%dma_wait3A_293, %dma_wait3A_307, %dma_wait3A_308] : memref<4x320x64xf32, #tpu.memory_space<vmem>> -> memref<1x320x64xf32, #tpu.memory_space<vmem>>
        %dma_wait3A_310 = tpu.memref_squeeze %dma_wait3A_309 : memref<1x320x64xf32, #tpu.memory_space<vmem>> -> memref<320x64xf32, #tpu.memory_space<vmem>>
        tpu.wait_dma2 semaphore(%dma_wait3A_303 : memref<!tpu.dma_semaphore, #tpu.memory_space<semaphore_mem>>) src(%dma_wait3A_310 : memref<320x64xf32, #tpu.memory_space<vmem>>) dst(%dma_wait3A_306 : memref<320x64xf32, #tpu.memory_space<hbm>>)
      } else {
      }
      %add3A_286 = arith.constant 2 : i32
      %add3A_287 = arith.addi %add3A_239, %add3A_286 : i32
      %lt3A_288 = arith.constant 80 : i32
      %lt3A_289 = arith.cmpi slt, %add3A_287, %lt3A_288 : i32
      %convert_element_type3A_290 = arith.extui %lt3A_289 : i1 to i32
      %cond3A_291 = arith.constant 0 : i32
      %cond3A_292 = arith.cmpi ne, %convert_element_type3A_290, %cond3A_291 : i32
      scf.if %cond3A_292 {
        %add3A_293 = arith.constant 2 : i32
        %add3A_294 = arith.addi %add3A_239, %add3A_293 : i32
        %mul3A_295 = arith.constant 320 : i32
        %mul3A_296 = arith.muli %add3A_294, %mul3A_295 : i32
        %dma_start3A_297 = arith.constant 1 : i32
        %dma_start3A_298 = arith.constant 1 : i32
        %dma_start3A_299 = arith.constant 0 : i32
        %dma_start3A_300 = arith.constant 0 : i32
        %dma_start3A_301 = tpu.memref_slice %arg6[%dma_start3A_297, %dma_start3A_299, %dma_start3A_300] : memref<4x320x64xf32, #tpu.memory_space<vmem>> -> memref<1x320x64xf32, #tpu.memory_space<vmem>>
        %dma_start3A_302 = tpu.memref_squeeze %dma_start3A_301 : memref<1x320x64xf32, #tpu.memory_space<vmem>> -> memref<320x64xf32, #tpu.memory_space<vmem>>
        %dma_start3A_303 = tpu.memref_slice %arg5[%mul3A_296] : memref<25600xi32, #tpu.memory_space<vmem>> -> memref<320xi32, #tpu.memory_space<vmem>>
        %dma_start3A_304 = arith.constant 0 : i32
        %dma_start3A_305 = arith.constant 0 : i32
        %dma_start3A_306 = tpu.memref_slice %arg3[%dma_start3A_304, %dma_start3A_305] : memref<1000000x64xf32, #tpu.memory_space<hbm>> -> memref<1000000x64xf32, #tpu.memory_space<hbm>>
        %dma_start3A_307 = tpu.memref_slice %arg7[%dma_start3A_298] : memref<4x!tpu.dma_semaphore, #tpu.memory_space<semaphore_mem>> -> memref<1x!tpu.dma_semaphore, #tpu.memory_space<semaphore_mem>>
        %dma_start3A_308 = tpu.memref_squeeze %dma_start3A_307 : memref<1x!tpu.dma_semaphore, #tpu.memory_space<semaphore_mem>> -> memref<!tpu.dma_semaphore, #tpu.memory_space<semaphore_mem>>
        tpu.enqueue_indirect_dma source(%dma_start3A_306 : memref<1000000x64xf32, #tpu.memory_space<hbm>>) target(%dma_start3A_302 : memref<320x64xf32, #tpu.memory_space<vmem>>) offsets(%dma_start3A_303 : memref<320xi32, #tpu.memory_space<vmem>>) semaphore(%dma_start3A_308 : memref<!tpu.dma_semaphore, #tpu.memory_space<semaphore_mem>>)
      } else {
      }
    }
    %scan3A_32 = arith.constant 20 : i32
    %dma_wait3A = arith.constant 2 : i32
    %dma_wait3A_33 = arith.constant 2 : i32
    %dma_wait3A_34 = arith.constant 0 : i32
    %dma_wait3A_35 = arith.constant 0 : i32
    %dma_wait3A_36 = tpu.memref_slice %arg6[%dma_wait3A, %dma_wait3A_34, %dma_wait3A_35] : memref<4x320x64xf32, #tpu.memory_space<vmem>> -> memref<1x320x64xf32, #tpu.memory_space<vmem>>
    %dma_wait3A_37 = tpu.memref_squeeze %dma_wait3A_36 : memref<1x320x64xf32, #tpu.memory_space<vmem>> -> memref<320x64xf32, #tpu.memory_space<vmem>>
    %dma_wait3A_38 = arith.constant 0 : i32
    %dma_wait3A_39 = arith.constant 0 : i32
    %dma_wait3A_40 = tpu.memref_slice %arg4[%dma_wait3A_38, %dma_wait3A_39] : memref<819200x64xf32, #tpu.memory_space<hbm>> -> memref<320x64xf32, #tpu.memory_space<hbm>>
    %dma_wait3A_41 = tpu.memref_slice %arg8[%dma_wait3A_33] : memref<4x!tpu.dma_semaphore, #tpu.memory_space<semaphore_mem>> -> memref<1x!tpu.dma_semaphore, #tpu.memory_space<semaphore_mem>>
    %dma_wait3A_42 = tpu.memref_squeeze %dma_wait3A_41 : memref<1x!tpu.dma_semaphore, #tpu.memory_space<semaphore_mem>> -> memref<!tpu.dma_semaphore, #tpu.memory_space<semaphore_mem>>
    %dma_wait3A_43 = arith.constant 0 : i32
    %dma_wait3A_44 = arith.constant 0 : i32
    %dma_wait3A_45 = tpu.memref_slice %arg4[%dma_wait3A_43, %dma_wait3A_44] : memref<819200x64xf32, #tpu.memory_space<hbm>> -> memref<320x64xf32, #tpu.memory_space<hbm>>
    %dma_wait3A_46 = arith.constant 0 : i32
    %dma_wait3A_47 = arith.constant 0 : i32
    %dma_wait3A_48 = tpu.memref_slice %arg6[%dma_wait3A, %dma_wait3A_46, %dma_wait3A_47] : memref<4x320x64xf32, #tpu.memory_space<vmem>> -> memref<1x320x64xf32, #tpu.memory_space<vmem>>
    %dma_wait3A_49 = tpu.memref_squeeze %dma_wait3A_48 : memref<1x320x64xf32, #tpu.memory_space<vmem>> -> memref<320x64xf32, #tpu.memory_space<vmem>>
    tpu.wait_dma2 semaphore(%dma_wait3A_42 : memref<!tpu.dma_semaphore, #tpu.memory_space<semaphore_mem>>) src(%dma_wait3A_49 : memref<320x64xf32, #tpu.memory_space<vmem>>) dst(%dma_wait3A_45 : memref<320x64xf32, #tpu.memory_space<hbm>>)
    %dma_wait3A_50 = arith.constant 3 : i32
    %dma_wait3A_51 = arith.constant 3 : i32
    %dma_wait3A_52 = arith.constant 0 : i32
    %dma_wait3A_53 = arith.constant 0 : i32
    %dma_wait3A_54 = tpu.memref_slice %arg6[%dma_wait3A_50, %dma_wait3A_52, %dma_wait3A_53] : memref<4x320x64xf32, #tpu.memory_space<vmem>> -> memref<1x320x64xf32, #tpu.memory_space<vmem>>
    %dma_wait3A_55 = tpu.memref_squeeze %dma_wait3A_54 : memref<1x320x64xf32, #tpu.memory_space<vmem>> -> memref<320x64xf32, #tpu.memory_space<vmem>>
    %dma_wait3A_56 = arith.constant 0 : i32
    %dma_wait3A_57 = arith.constant 0 : i32
    %dma_wait3A_58 = tpu.memref_slice %arg4[%dma_wait3A_56, %dma_wait3A_57] : memref<819200x64xf32, #tpu.memory_space<hbm>> -> memref<320x64xf32, #tpu.memory_space<hbm>>
    %dma_wait3A_59 = tpu.memref_slice %arg8[%dma_wait3A_51] : memref<4x!tpu.dma_semaphore, #tpu.memory_space<semaphore_mem>> -> memref<1x!tpu.dma_semaphore, #tpu.memory_space<semaphore_mem>>
    %dma_wait3A_60 = tpu.memref_squeeze %dma_wait3A_59 : memref<1x!tpu.dma_semaphore, #tpu.memory_space<semaphore_mem>> -> memref<!tpu.dma_semaphore, #tpu.memory_space<semaphore_mem>>
    %dma_wait3A_61 = arith.constant 0 : i32
    %dma_wait3A_62 = arith.constant 0 : i32
    %dma_wait3A_63 = tpu.memref_slice %arg4[%dma_wait3A_61, %dma_wait3A_62] : memref<819200x64xf32, #tpu.memory_space<hbm>> -> memref<320x64xf32, #tpu.memory_space<hbm>>
    %dma_wait3A_64 = arith.constant 0 : i32
    %dma_wait3A_65 = arith.constant 0 : i32
    %dma_wait3A_66 = tpu.memref_slice %arg6[%dma_wait3A_50, %dma_wait3A_64, %dma_wait3A_65] : memref<4x320x64xf32, #tpu.memory_space<vmem>> -> memref<1x320x64xf32, #tpu.memory_space<vmem>>
    %dma_wait3A_67 = tpu.memref_squeeze %dma_wait3A_66 : memref<1x320x64xf32, #tpu.memory_space<vmem>> -> memref<320x64xf32, #tpu.memory_space<vmem>>
    tpu.wait_dma2 semaphore(%dma_wait3A_60 : memref<!tpu.dma_semaphore, #tpu.memory_space<semaphore_mem>>) src(%dma_wait3A_67 : memref<320x64xf32, #tpu.memory_space<vmem>>) dst(%dma_wait3A_63 : memref<320x64xf32, #tpu.memory_space<hbm>>)
    return
  }
}

</mosaic_0001>

<sc_bundles>
// kernel: _embed_lookup.3.cloned.1.call-start
scs
__scs_entry_jumppad:
0x0: {  	(pc) =	sbr.rel $0x88, $3  }
0x1: {  	(tag) =	ssettag $0x0;
	lr =	simm.s32 $0x1  }
0x2: {  	[smem:$0x3F9F] =	sst lr;
	_ =	strace $0xD0000000  }
0x3: {  	_ = 	snop  }
0x4: {  	_ = 	snop  }
0x5: {  	_ = 	snop  }
0x6: {  	_ = 	snop  }
0x7: {  	_ = 	snop  }
__scs_overlays_trampoline_lowered:
0x8: {  	[smem:$0x3FAE] =	sst s0  }
0x9: {  	[smem:$0x3FAF] =	sst s1  }
0xa: {  	[smem:$0x3FB0] =	sst s2  }
0xb: {  	[smem:$0x3FB1] =	sst s3  }
0xc: {  	[smem:$0x3FB2] =	sst s4  }
0xd: {  	[smem:$0x3FB3] =	sst s5  }
0xe: {  	[smem:$0x3FB4] =	sst s6  }
0xf: {  	[smem:$0x3FB5] =	sst s7  }
0x10: {  	[smem:$0x3FB6] =	sst s8  }
0x11: {  	[smem:$0x3FB7] =	sst s9;
	s0 =	simm.s32 @!p0 $0x0  }
0x12: {  	s1 =	sld [smem:$0x3F9D];
	s0 =	simm.s32 @p0 $0x1  }
0x13: {  	[smem:$0x3FB8] =	sst s0;
	s0 =	simm.s32 @!p1 $0x0  }
0x14: {  	s2 =	sld [smem:$0x3F9C];
	s0 =	simm.s32 @p1 $0x1  }
0x15: {  	[smem:$0x3FB9] =	sst s0;
	s0 =	simm.s32 @!p2 $0x0  }
0x16: {  	s3 =	sld [smem:$0x3FDB];
	s0 =	simm.s32 @p2 $0x1  }
0x17: {  	s4 =	simm.s32 $0x1BF5;
	[smem:$0x3FBB] =	sst s0  }
0x18: {  	s0 =	sld [smem:$0x3F9E];
	_ =	swait.ge [sflag:s4], $0x0  }
0x19: {  	s7 =	sld [smem:$0x3F9F]  }
0x1a: {  	s8 =	sadd.s32 $0xFFFFE003, lr  }
0x1b: {  	s9 =	sadd.s32 $0xFFFFFEF7, lr;
	s5 =	simm.s32 $0xFFFFFFFF;
	p2 =	slt.u32 s8, $0xFFFFF086  }
0x1c: {  	p1 =	slt.u32 s9, $0xF7A;
	s5 =	simm.s32 @!p2 $0x0  }
0x1d: {  	s5 =	simm.s32 @p1 $0x1;
	p0 =	seq.s32 s7, s2  }
0x1e: {  	s7 =	smul.u32 @!p0 $0xF7A, s2;
	p2 =	seq.s32 @!p0 s5, $0x0  }
0x1f: {  	s9 =	smul.u32 $0xF7A, s1;
	s8 =	simm.s32 @!p0 $0x1BF5;
	p2 =	por !p2, p0  }
0x20: {  	[sflag:s8] =	ssyncset.s32 @!p0 $0xFFFFF086;
	s6 =	sadd.s32 @!p0 s3, s7;
	s7 =	simm.s32 @!p0 $0x108  }
0x21: {  	s3 =	sadd.s32 s3, s9;
	s6 =	sadd.s32 @!p0 $0x88, s6;
	s7 =	simm.s32 @p2 $0x1082  }
0x22: {  	[simem:s7], [sflag:s8] =	dma.local @!p0 [hbm:s6], $0xF7A  }
0x23: {  	s9 =	sor.u32 $0xD0000000, s2;
	s6 =	simm.s32 $0x108;
	_ =	swait.ge @!p0 [sflag:s8], $0x0  }
0x24: {  	s3 =	sadd.s32 $0x88, s3;
	s6 =	simm.s32 @!p1 $0x1082;
	[sflag:s4] =	ssyncset.s32 $0xFFFFF086  }
0x25: {  	[simem:s6], [sflag:s4] =	dma.local [hbm:s3], $0xF7A  }
0x26: {  	[smem:$0x3F9F] =	sst s1;
	(tag) =	ssettag s2;
	_ =	strace s9  }
0x27: {  	s1 =	sld [smem:$0x3FAF]  }
0x28: {  	s2 =	sld [smem:$0x3FB0]  }
0x29: {  	s4 =	sld [smem:$0x3FB2]  }
0x2a: {  	p0 =	seq.s32 s5, $0x0;
	s5 =	sld [smem:$0x3FB3]  }
0x2b: {  	s6 =	sld [smem:$0x3FB4]  }
0x2c: {  	s7 =	sld [smem:$0x3FB5]  }
0x2d: {  	s3 =	simm.s32 $0x108;
	s8 =	sld [smem:$0x3FB6]  }
0x2e: {  	s3 =	simm.s32 @!p0 $0x1082;
	s9 =	sld [smem:$0x3FB7]  }
0x2f: {  	lr =	sadd.s32 s0, s3;
	s0 =	sld [smem:$0x3FAE]  }
0x30: {  	s3 =	sld [smem:$0x3FB1]  }
0x31: {  	[smem:$0x3FBA] =	sst s10  }
0x32: {  	s10 =	sld [smem:$0x3FB8];
	_ =	sdelay $0x3  }
0x33: {  	p0 =	seq.s32 s10, $0x1;
	s10 =	sld [smem:$0x3FBA];
	_ =	sdelay $0x3  }
0x34: {  	[smem:$0x3FBA] =	sst s10  }
0x35: {  	s10 =	sld [smem:$0x3FB9];
	_ =	sdelay $0x3  }
0x36: {  	p1 =	seq.s32 s10, $0x1;
	s10 =	sld [smem:$0x3FBA];
	_ =	sdelay $0x3  }
0x37: {  	[smem:$0x3FBA] =	sst s10  }
0x38: {  	s10 =	sld [smem:$0x3FBB]  }
0x39: {  	_ = 	snop;
	(pc) =	sbr.ind lr, $3  }
0x3a: {  	_ = 	snop  }
0x3b: {  	_ = 	snop  }
0x3c: {  	p2 =	seq.s32 s10, $0x1;
	s10 =	sld [smem:$0x3FBA]  }
0x3d: {  	_ =	shalt  }
0x3e: {  	_ =	shalt  }
0x3f: {  	_ =	shalt  }
0x40: {  	_ =	shalt  }
0x41: {  	_ =	shalt  }
0x42: {  	_ =	shalt  }
0x43: {  	_ =	shalt  }
0x44: {  	_ =	shalt  }
0x45: {  	_ =	shalt  }
0x46: {  	_ =	shalt  }
0x47: {  	_ =	shalt  }
0x48: {  	_ =	shalt  }
0x49: {  	_ =	shalt  }
0x4a: {  	_ =	shalt  }
0x4b: {  	_ =	shalt  }
0x4c: {  	_ =	shalt  }
0x4d: {  	_ =	shalt  }
0x4e: {  	_ =	shalt  }
0x4f: {  	_ =	shalt  }
0x50: {  	_ =	shalt  }
0x51: {  	_ =	shalt  }
0x52: {  	_ =	shalt  }
0x53: {  	_ =	shalt  }
0x54: {  	_ =	shalt  }
0x55: {  	_ =	shalt  }
0x56: {  	_ =	shalt  }
0x57: {  	_ =	shalt  }
0x58: {  	_ =	shalt  }
0x59: {  	_ =	shalt  }
0x5a: {  	_ =	shalt  }
0x5b: {  	_ =	shalt  }
0x5c: {  	_ =	shalt  }
0x5d: {  	_ =	shalt  }
0x5e: {  	_ =	shalt  }
0x5f: {  	_ =	shalt  }
0x60: {  	_ =	shalt  }
0x61: {  	_ =	shalt  }
0x62: {  	_ =	shalt  }
0x63: {  	_ =	shalt  }
0x64: {  	_ =	shalt  }
0x65: {  	_ =	shalt  }
0x66: {  	_ =	shalt  }
0x67: {  	_ =	shalt  }
0x68: {  	_ =	shalt  }
0x69: {  	_ =	shalt  }
0x6a: {  	_ =	shalt  }
0x6b: {  	_ =	shalt  }
0x6c: {  	_ =	shalt  }
0x6d: {  	_ =	shalt  }
0x6e: {  	_ =	shalt  }
0x6f: {  	_ =	shalt  }
0x70: {  	_ =	shalt  }
0x71: {  	_ =	shalt  }
0x72: {  	_ =	shalt  }
0x73: {  	_ =	shalt  }
0x74: {  	_ =	shalt  }
0x75: {  	_ =	shalt  }
0x76: {  	_ =	shalt  }
0x77: {  	_ =	shalt  }
0x78: {  	_ =	shalt  }
0x79: {  	_ =	shalt  }
0x7a: {  	_ =	shalt  }
0x7b: {  	_ =	shalt  }
0x7c: {  	_ =	shalt  }
0x7d: {  	_ =	shalt  }
0x7e: {  	_ =	shalt  }
0x7f: {  	_ =	shalt  }
0x80: {  	_ =	shalt  }
0x81: {  	_ =	shalt  }
0x82: {  	_ =	shalt  }
0x83: {  	_ =	shalt  }
0x84: {  	_ =	shalt  }
0x85: {  	_ =	shalt  }
0x86: {  	_ =	shalt  }
0x87: {  	_ =	shalt  }
.Lfunc_end0:
.L_simem_size_0:
called_computation.1_lowered:
.L_overlay_start_0:
0x88: {  	s2 =	sld [smem:$0x3FD9]  }
0x89: {  	s3 =	sld [smem:$0x3FFE];
	_ =	sdelay $0x1  }
0x8a: {  	s1 =	srdreg.scid  }
0x8b: {  	s0 =	sand.u32 $0x1, s1  }
0x8c: {  	s17 =	sshll.u32 s0, $0xA;
	s2 =	sadd.s32 s3, s2  }
0x8d: {  	s2 =	sadd.s32 s2, s17  }
0x8e: {  	[smem:$0x3FC6] =	sst s2  }
0x8f: {  	_ = 	snop  }
0x90: {  	s2 =	sld [smem:$0x3FC9]  }
0x91: {  	s18 =	sld [smem:$0x3FD0];
	(tm) =	ssettm $0x1  }
0x92: {  	s4 =	sld [smem:$0x3FFB];
	_ =	sdelay $0x3  }
0x93: {  	_ =	strace s4  }
0x94: {  	s4 =	sld [smem:$0x3FFC];
	_ =	sdelay $0x3  }
0x95: {  	_ =	strace s4  }
0x96: {  	s4 =	sld [smem:$0x3FFD];
	_ =	sdelay $0x3  }
0x97: {  	_ =	strace s4  }
0x98: {  	_ =	strace $0x8FFFFFFF  }
0x99: {  	s19 =	sld [smem:$0x3FDB];
	_ =	sdelay $0x1  }
0x9a: {  	s5 =	simm.s32 $_scs_section_size  }
0x9b: {  	s6 =	simm.s32 $_size__tile_overlayer_lowered;
	s7 =	simm.s32 $_tile_overlayer_lowered  }
0x9c: {  	s22 =	simm.s32 $0x1BFF;
	s21 =	sshll.u32 s7, $0x1;
	s4 =	sadd.s32 s5, s19  }
0x9d: {  	s8 =	simm.s32 $0x0;
	s20 =	sshll.u32 s6, $0x1;
	s6 =	sadd.s32 s21, s4  }
0x9e: {  	[timem:s8], [sflag:s22] =	dma.local [hbm:s6], s20  }
0x9f: {  	_ =	swait.ge [sflag:s22], s20  }
0xa0: {  	s5 =	ssub.s32 $0x0, s20;
	[sflag:s22] =	ssyncset.done $0x0  }
0xa1: {  	[sflag:s22] =	ssyncadd.s32 s5;
	_ =	sdelay $0x1  }
0xa2: {  	s23 =	simm.s32 $0x1B8B  }
0xa3: {  	_ =	swait.ge [sflag:s23], $0x1  }
0xa4: {  	[sflag:s23] =	ssyncset.done $0x0  }
0xa5: {  	s25 =	simm.s32 $0x1B8E;
	s24 =	sld [smem:$0x3FFE];
	[sflag:s23] =	ssyncadd.s32 $0xFFFFFFFF  }
0xa6: {  	s26 =	simm.s32 $execute0_lowered;
	[smem:$0x3FD2] =	sst s25  }
0xa7: {  	s6 =	sshll.u32 s26, $0x1;
	_ =	strace $0x80000046;
	[dreg:$0x1] =	wrdreg $0xFFFFFFFF  }
0xa8: {  	s28 =	simm.s32 $_size_execute0_lowered;
	s4 =	sadd.s32 s4, s6;
	[dreg:$0x0] =	wrdreg $0x0  }
0xa9: {  	s6 =	sshll.u32 s28, $0x1;
	[dreg:$0x2] =	wrdreg s4  }
0xaa: {  	[dreg:$0x3] =	wrdreg s6  }
0xab: {  	[dreg:$0x4] =	wrdreg $0xC0  }
0xac: {  	_ =	task [dreg:s8], $0x5FFFF  }
0xad: {  	[dreg:$0x1] =	wrdreg $0xFFFFFFFF  }
0xae: {  	[dreg:$0x0] =	wrdreg $0x60  }
0xaf: {  	[dreg:$0x2] =	wrdreg s2  }
0xb0: {  	[dreg:$0x3] =	wrdreg s24  }
0xb1: {  	[dreg:$0x4] =	wrdreg s18  }
0xb2: {  	[dreg:$0x5] =	wrdreg $0x9  }
0xb3: {  	_ =	task.clear_ibuf [dreg:s8], $0x6FFFF;
	_ =	strace $0x90000046  }
0xb4: {  	s29 =	simm.s32 $0x9;
	_ =	strace $0x80000048  }
0xb5: {  	_ =	swait.ge [sflag:s29], $0x1  }
0xb6: {  	[sflag:s29] =	ssyncadd.s32 $0xFFFFFFFF  }
0xb7: {  	_ =	strace $0x90000048  }
0xb8: {  	_ =	sfence  }
0xb9: {  	s30 =	sld [smem:$0x0];
	_ =	sdelay $0x2  }
0xba: {  	s31 =	sshll.u32 s1, $0xD;
	s1 =	sshrl.u32 s1, $0x2  }
0xbb: {  	s3 =	sand.u32 $0x4000, s31;
	s1 =	sadd.s32 s1, s30  }
0xbc: {  	s0 =	sor.u32 s3, s0;
	s1 =	sshll.u32 s1, $0x11  }
0xbd: {  	s0 =	sor.u32 s1, s0  }
0xbe: {  	s0 =	sadd.s32 $0x8F2B, s0  }
0xbf: {  	[sflag:s0] =	ssyncadd.remote.s32 $0x1  }
0xc0: {  	_ =	sfence.sel $0xFFFF  }
0xc1: {  	[dreg:$0x0] =	wrdreg $0xFFFFFFFF;
	(pc) =	sbr.abs _section_cstart, $3  }
0xc2: {  	[dreg:$0x1] =	wrdreg $0xFFFFFFFF  }
0xc3: {  	_ =	task.clear_ibuf [dreg:s8], $0x2FFFF;
	_ =	strace $0x9FFFFFFF  }
0xc4: {  	(tm) =	ssettm $0x7FFFFFFF  }
0xc5: {  	_ =	shalt  }
tec
execute0_lowered:
.L_overlay_start_1:
0x0: {  	(tag) =	ssettag $0x1  }
0x1: {  	s6 =	rddreg [dreg:$0x0]  }
0x2: {  	s5 =	rddreg [dreg:$0x1]  }
0x3: {  	s1 =	srdreg.scid;
	s0 =	stileid.u32  }
0x4: {  	s2 =	rddreg [dreg:$0x2];
	s3 =	simm.s32 $0x0;
	s9 =	simm.s32 $0x9  }
0x5: {  	s10 =	simm.s32 $0x140;
	s11 =	simm.s32 $0x6400;
	s12 =	simm.s32 $0xB400  }
0x6: {  	s13 =	simm.s32 $0x1;
	s14 =	simm.s32 $0x10400;
	s15 =	simm.s32 $0x2  }
0x7: {  	s16 =	simm.s32 $0x15400;
	s17 =	simm.s32 $0x3;
	s18 =	simm.s32 $0x5  }
0x8: {  	s19 =	simm.s32 $0x4;
	s20 =	simm.s32 $0x6;
	s21 =	simm.s32 $0x7  }
0x9: {  	s22 =	simm.s32 $0x8;
	s4 =	sand.u32 $0x1, s1;
	s7 =	sshll.u32 s0, $0x1  }
.Ltmp0:
0xa: {  	s23 =	simm.s32 $0x0;
	s7 =	sor.u32 s4, s7;
	(pc) =	sbr.rel .LBB2_1-.Ltmp0, $4  }
0xb: {  	s1 =	rddreg [dreg:$0x3];
	s8 =	ssub.s32 $0x2, s4;
	s4 =	smul.u32 $0x6400, s7  }
0xc: {  	[smem:$0x7FF] =	sst s3;
	s5 =	sadd.s32 $0xF42C00, s5;
	s30 =	sshrl.u32 s8, $0x1  }
0xd: {  	_ =	strace $0x80000047;
	s8 =	ssub.s32 s8, s30;
	s31 =	sshrl.u32 s4, $0x3  }
0xe: {  	s7 =	sor.u32 $0x140, s4;
	s8 =	smax.u32 s8, $0x1;
	s6 =	sadd.s32 s6, s31  }
.LBB2_12:
0xf: {  	s23 =	sadd.s32 $0x1, s23  }
0x10: {  	_ =	swait.ge [sflag:s21], $0x5000;
	p0 =	sne.s32 s23, s8  }
.Ltmp1:
0x11: {  	[sflag:s21] =	ssyncset.done $0x0;
	(pc) =	sbr.rel @!p0 .LBB2_13-.Ltmp1, $4  }
0x12: {  	[sflag:s21] =	ssyncadd.s32 $0xFFFFB000  }
0x13: {  	_ =	swait.ge [sflag:s22], $0x5000  }
0x14: {  	[sflag:s22] =	ssyncset.done $0x0  }
0x15: {  	[sflag:s22] =	ssyncadd.s32 $0xFFFFB000  }
.LBB2_1:
0x16: {  	[tilespmem:s3], [sflag:$0x9] =	stream.linear.gather [hbm4b:s6+s3], $0x6400, $0x38;
	[tilespmem:$0x1A400] =	vst v63  }
0x17: {  	_ =	swait.ge [sflag:s9], $0x6400  }
0x18: {  	[sflag:s9] =	ssyncset.done $0x0  }
0x19: {  	[sflag:s9] =	ssyncadd.s32 $0xFFFF9C00  }
0x1a: {  	[tilespmem:s11], [sflag:$0x1] =	stream.indirect.gather [hbm4b:s5+s10], $0x40, s3, s10, $0xb8;
	[tilespmem:$0x1A400] =	vst v63  }
0x1b: {  	s24 =	simm.s32 $0x0  }
0x1c: {  	[tilespmem:s12], [sflag:$0x2] =	stream.indirect.gather [hbm4b:s5+s10], $0x40, s10, s10, $0xb8;
	[tilespmem:$0x1A400] =	vst v63  }
.LBB2_2:
0x1d: {  	_ =	swait.ge [sflag:s13], $0x5000  }
0x1e: {  	[sflag:s13] =	ssyncset.done $0x0  }
0x1f: {  	s26 =	simm.s32 $0x0;
	[sflag:s13] =	ssyncadd.s32 $0xFFFFB000  }
0x20: {  	v2 =	vld [tilespmem:s26+$0x6400]  }
0x21: {  	v5 =	vld [tilespmem:s26+$0x6410]  }
0x22: {  	v4 =	vld [tilespmem:s26+$0x6420]  }
0x23: {  	v3 =	vld [tilespmem:s26+$0x6430]  }
0x24: {  	v0 =	vld [tilespmem:s26+$0x6440]  }
0x25: {  	v1 =	vld [tilespmem:s26+$0x6450];
	v6 =	vmul.f32 $8.000000000e+00, v2  }
0x26: {  	s25 =	simm.s32 $0x200;
	v5 =	vmul.f32 $8.000000000e+00, v5;
	v2 =	vld [tilespmem:s26+$0x6460]  }
.LBB2_3:
0x27: {  	s28 =	sshra.s32 s25, $0x2;
	p0 =	sne.s32 s25, $0x13E00;
	[tilespmem:s26+$0x6400] =	vst v6;
	v4 =	vmul.f32 $8.000000000e+00, v4;
	v6 =	vld [tilespmem:s26+$0x6470]  }
0x28: {  	v7 =	vld [tilespmem:s28+$0x6400];
	[tilespmem:s26+$0x6410] =	vst v5;
	v3 =	vmul.f32 $8.000000000e+00, v3  }
0x29: {  	v5 =	vld [tilespmem:s28+$0x6410];
	[tilespmem:s26+$0x6420] =	vst v4;
	v0 =	vmul.f32 $8.000000000e+00, v0  }
.Ltmp2:
0x2a: {  	v4 =	vld [tilespmem:s28+$0x6420];
	[tilespmem:s26+$0x6430] =	vst v3;
	v1 =	vmul.f32 $8.000000000e+00, v1;
	(pc) =	sbr.rel @p0 .LBB2_3-.Ltmp2, $4  }
0x2b: {  	v3 =	vld [tilespmem:s28+$0x6430];
	[tilespmem:s26+$0x6440] =	vst v0;
	v2 =	vmul.f32 $8.000000000e+00, v2  }
0x2c: {  	v0 =	vld [tilespmem:s28+$0x6440];
	[tilespmem:s26+$0x6450] =	vst v1;
	v8 =	vmul.f32 $8.000000000e+00, v6  }
0x2d: {  	v6 =	vmul.f32 $8.000000000e+00, v7;
	v1 =	vld [tilespmem:s28+$0x6450];
	[tilespmem:s26+$0x6460] =	vst v2  }
0x2e: {  	s25 =	sadd.s32 $0x200, s25;
	v5 =	vmul.f32 $8.000000000e+00, v5;
	v2 =	vld [tilespmem:s28+$0x6460];
	[tilespmem:s26+$0x6470] =	vst v8;
	s26 =	smov.u32 s28  }
0x2f: {  	[tilespmem:s26+$0x6400] =	vst v6;
	v4 =	vmul.f32 $8.000000000e+00, v4;
	v6 =	vld [tilespmem:s26+$0x6470]  }
0x30: {  	[tilespmem:s26+$0x6410] =	vst v5;
	v3 =	vmul.f32 $8.000000000e+00, v3  }
0x31: {  	s25 =	smul.u32 $0x500, s24;
	[tilespmem:s26+$0x6420] =	vst v4;
	v0 =	vmul.f32 $8.000000000e+00, v0  }
0x32: {  	[tilespmem:s26+$0x6430] =	vst v3;
	v1 =	vmul.f32 $8.000000000e+00, v1  }
0x33: {  	s28 =	sadd.s32 s4, s25;
	[tilespmem:s26+$0x6440] =	vst v0;
	v0 =	vmul.f32 $8.000000000e+00, v2  }
0x34: {  	s28 =	sshll.u32 s28, $0x3;
	[tilespmem:s26+$0x6450] =	vst v1;
	v1 =	vmul.f32 $8.000000000e+00, v6  }
0x35: {  	p0 =	seq.s32 s24, $0x0;
	s31 =	sadd.s32 s2, s28;
	s28 =	sshll.u32 s24, $0x2;
	[tilespmem:s26+$0x6460] =	vst v0  }
0x36: {  	s29 =	simm.s32 @!p0 $0x7;
	[tilespmem:s26+$0x6470] =	vst v1;
	s26 =	sor.u32 $0x2, s28  }
0x37: {  	[hbm4b:s31+s3] =	stream.linear.scatter [tilespmem:s11], [sflag:$0x5], $0x5000, $0x38;
	[tilespmem:$0x1A400] =	vst v63  }
0x38: {  	s30 =	smul.u32 $0x500, s26;
	_ =	swait.ge @!p0 [sflag:s29], $0x5000  }
0x39: {  	[sflag:s29] =	ssyncset.done @!p0 $0x0  }
0x3a: {  	[sflag:s29] =	ssyncadd.s32 @!p0 $0xFFFFB000;
	s29 =	sshra.s32 s30, $0x2  }
0x3b: {  	[tilespmem:s14], [sflag:$0x3] =	stream.indirect.gather [hbm4b:s5+s10], $0x40, s29, s10, $0xb8;
	[tilespmem:$0x1A400] =	vst v63  }
0x3c: {  	_ =	swait.ge [sflag:s15], $0x5000  }
0x3d: {  	[sflag:s15] =	ssyncset.done $0x0  }
0x3e: {  	s29 =	simm.s32 $0x0;
	[sflag:s15] =	ssyncadd.s32 $0xFFFFB000  }
0x3f: {  	v3 =	vld [tilespmem:s29+$0xB400]  }
0x40: {  	v5 =	vld [tilespmem:s29+$0xB410]  }
0x41: {  	v4 =	vld [tilespmem:s29+$0xB420]  }
0x42: {  	v2 =	vld [tilespmem:s29+$0xB430]  }
0x43: {  	v0 =	vld [tilespmem:s29+$0xB440]  }
0x44: {  	v1 =	vld [tilespmem:s29+$0xB450];
	v6 =	vmul.f32 $8.000000000e+00, v3  }
0x45: {  	s30 =	simm.s32 $0x200;
	v5 =	vmul.f32 $8.000000000e+00, v5;
	v3 =	vld [tilespmem:s29+$0xB460]  }
.LBB2_5:
0x46: {  	s31 =	sshra.s32 s30, $0x2;
	p1 =	sne.s32 s30, $0x13E00;
	[tilespmem:s29+$0xB400] =	vst v6;
	v4 =	vmul.f32 $8.000000000e+00, v4;
	v6 =	vld [tilespmem:s29+$0xB470]  }
0x47: {  	v7 =	vld [tilespmem:s31+$0xB400];
	[tilespmem:s29+$0xB410] =	vst v5;
	v2 =	vmul.f32 $8.000000000e+00, v2  }
0x48: {  	v5 =	vld [tilespmem:s31+$0xB410];
	[tilespmem:s29+$0xB420] =	vst v4;
	v0 =	vmul.f32 $8.000000000e+00, v0  }
.Ltmp3:
0x49: {  	v4 =	vld [tilespmem:s31+$0xB420];
	[tilespmem:s29+$0xB430] =	vst v2;
	v1 =	vmul.f32 $8.000000000e+00, v1;
	(pc) =	sbr.rel @p1 .LBB2_5-.Ltmp3, $4  }
0x4a: {  	v2 =	vld [tilespmem:s31+$0xB430];
	[tilespmem:s29+$0xB440] =	vst v0;
	v3 =	vmul.f32 $8.000000000e+00, v3  }
0x4b: {  	v0 =	vld [tilespmem:s31+$0xB440];
	[tilespmem:s29+$0xB450] =	vst v1;
	v8 =	vmul.f32 $8.000000000e+00, v6  }
0x4c: {  	v6 =	vmul.f32 $8.000000000e+00, v7;
	v1 =	vld [tilespmem:s31+$0xB450];
	[tilespmem:s29+$0xB460] =	vst v3  }
0x4d: {  	s30 =	sadd.s32 $0x200, s30;
	v5 =	vmul.f32 $8.000000000e+00, v5;
	v3 =	vld [tilespmem:s31+$0xB460];
	[tilespmem:s29+$0xB470] =	vst v8;
	s29 =	smov.u32 s31  }
0x4e: {  	[tilespmem:s29+$0xB400] =	vst v6;
	v4 =	vmul.f32 $8.000000000e+00, v4;
	v6 =	vld [tilespmem:s29+$0xB470]  }
0x4f: {  	[tilespmem:s29+$0xB410] =	vst v5;
	v2 =	vmul.f32 $8.000000000e+00, v2  }
0x50: {  	[tilespmem:s29+$0xB420] =	vst v4;
	v0 =	vmul.f32 $8.000000000e+00, v0  }
0x51: {  	[tilespmem:s29+$0xB430] =	vst v2;
	v1 =	vmul.f32 $8.000000000e+00, v1  }
0x52: {  	s25 =	sadd.s32 s25, s7;
	[tilespmem:s29+$0xB440] =	vst v0;
	v0 =	vmul.f32 $8.000000000e+00, v3  }
0x53: {  	s25 =	sshll.u32 s25, $0x3;
	[tilespmem:s29+$0xB450] =	vst v1;
	v1 =	vmul.f32 $8.000000000e+00, v6  }
0x54: {  	s25 =	sand.u32 $0x1FFFFA00, s25;
	[tilespmem:s29+$0xB460] =	vst v0  }
0x55: {  	s25 =	sadd.s32 s2, s25;
	[tilespmem:s29+$0xB470] =	vst v1  }
0x56: {  	[hbm4b:s25+s3] =	stream.linear.scatter [tilespmem:s12], [sflag:$0x6], $0x5000, $0x38;
	[tilespmem:$0x1A400] =	vst v63  }
0x57: {  	s25 =	sor.u32 $0x3, s28;
	s28 =	simm.s32 @!p0 $0x8  }
0x58: {  	_ =	swait.ge @!p0 [sflag:s28], $0x5000;
	s29 =	smul.u32 $0x500, s25  }
0x59: {  	[sflag:s28] =	ssyncset.done @!p0 $0x0  }
0x5a: {  	[sflag:s28] =	ssyncadd.s32 @!p0 $0xFFFFB000;
	s28 =	sshra.s32 s29, $0x2  }
0x5b: {  	[tilespmem:s16], [sflag:$0x4] =	stream.indirect.gather [hbm4b:s5+s10], $0x40, s28, s10, $0xb8;
	[tilespmem:$0x1A400] =	vst v63  }
0x5c: {  	_ =	swait.ge [sflag:s17], $0x5000  }
0x5d: {  	[sflag:s17] =	ssyncset.done $0x0  }
0x5e: {  	s28 =	simm.s32 $0x0;
	[sflag:s17] =	ssyncadd.s32 $0xFFFFB000  }
0x5f: {  	v2 =	vld [tilespmem:s28+$0x10400]  }
0x60: {  	v5 =	vld [tilespmem:s28+$0x10410]  }
0x61: {  	v4 =	vld [tilespmem:s28+$0x10420]  }
0x62: {  	v3 =	vld [tilespmem:s28+$0x10430]  }
0x63: {  	v1 =	vld [tilespmem:s28+$0x10440]  }
0x64: {  	v0 =	vld [tilespmem:s28+$0x10450];
	v6 =	vmul.f32 $8.000000000e+00, v2  }
0x65: {  	s29 =	simm.s32 $0x200;
	v5 =	vmul.f32 $8.000000000e+00, v5;
	v2 =	vld [tilespmem:s28+$0x10460]  }
.LBB2_7:
0x66: {  	s30 =	sshra.s32 s29, $0x2;
	p0 =	sne.s32 s29, $0x13E00;
	[tilespmem:s28+$0x10400] =	vst v6;
	v4 =	vmul.f32 $8.000000000e+00, v4;
	v6 =	vld [tilespmem:s28+$0x10470]  }
0x67: {  	v7 =	vld [tilespmem:s30+$0x10400];
	[tilespmem:s28+$0x10410] =	vst v5;
	v3 =	vmul.f32 $8.000000000e+00, v3  }
0x68: {  	v5 =	vld [tilespmem:s30+$0x10410];
	[tilespmem:s28+$0x10420] =	vst v4;
	v1 =	vmul.f32 $8.000000000e+00, v1  }
.Ltmp4:
0x69: {  	v4 =	vld [tilespmem:s30+$0x10420];
	[tilespmem:s28+$0x10430] =	vst v3;
	v0 =	vmul.f32 $8.000000000e+00, v0;
	(pc) =	sbr.rel @p0 .LBB2_7-.Ltmp4, $4  }
0x6a: {  	v3 =	vld [tilespmem:s30+$0x10430];
	[tilespmem:s28+$0x10440] =	vst v1;
	v2 =	vmul.f32 $8.000000000e+00, v2  }
0x6b: {  	v1 =	vld [tilespmem:s30+$0x10440];
	[tilespmem:s28+$0x10450] =	vst v0;
	v8 =	vmul.f32 $8.000000000e+00, v6  }
0x6c: {  	v6 =	vmul.f32 $8.000000000e+00, v7;
	v0 =	vld [tilespmem:s30+$0x10450];
	[tilespmem:s28+$0x10460] =	vst v2  }
0x6d: {  	s29 =	sadd.s32 $0x200, s29;
	v5 =	vmul.f32 $8.000000000e+00, v5;
	v2 =	vld [tilespmem:s30+$0x10460];
	[tilespmem:s28+$0x10470] =	vst v8;
	s28 =	smov.u32 s30  }
0x6e: {  	[tilespmem:s28+$0x10400] =	vst v6;
	v4 =	vmul.f32 $8.000000000e+00, v4;
	v6 =	vld [tilespmem:s28+$0x10470]  }
0x6f: {  	[tilespmem:s28+$0x10410] =	vst v5;
	v3 =	vmul.f32 $8.000000000e+00, v3  }
0x70: {  	s26 =	smul.u32 $0x140, s26;
	[tilespmem:s28+$0x10420] =	vst v4;
	v1 =	vmul.f32 $8.000000000e+00, v1  }
0x71: {  	[tilespmem:s28+$0x10430] =	vst v3;
	v0 =	vmul.f32 $8.000000000e+00, v0  }
0x72: {  	s26 =	sadd.s32 s4, s26;
	[tilespmem:s28+$0x10440] =	vst v1;
	v1 =	vmul.f32 $8.000000000e+00, v2  }
0x73: {  	s26 =	sshll.u32 s26, $0x3;
	[tilespmem:s28+$0x10450] =	vst v0;
	v0 =	vmul.f32 $8.000000000e+00, v6  }
0x74: {  	s26 =	sand.u32 $0x1FFFFC00, s26;
	[tilespmem:s28+$0x10460] =	vst v1  }
0x75: {  	p0 =	seq.s32 s24, $0x13;
	s26 =	sadd.s32 s2, s26;
	[tilespmem:s28+$0x10470] =	vst v0  }
0x76: {  	[hbm4b:s26+s3] =	stream.linear.scatter [tilespmem:s14], [sflag:$0x7], $0x5000, $0x38;
	[tilespmem:$0x1A400] =	vst v63  }
0x77: {  	s26 =	smul.u32 @!p0 $0x1400, s24  }
0x78: {  	_ =	swait.ge [sflag:s18], $0x5000  }
0x79: {  	s29 =	simm.s32 @!p0 $0x6400;
	[sflag:s18] =	ssyncset.done $0x0;
	s26 =	sshra.s32 @!p0 s26, $0x2  }
0x7a: {  	s28 =	simm.s32 @!p0 $0x140;
	[sflag:s18] =	ssyncadd.s32 $0xFFFFB000;
	s26 =	sadd.s32 @!p0 $0x500, s26  }
0x7b: {  	[tilespmem:s29], [sflag:$0x1] =	stream.indirect.gather @!p0 [hbm4b:s5+s28], $0x40, s26, s28, $0xb8;
	[tilespmem:$0x1A400] =	vst v63  }
0x7c: {  	_ =	swait.ge [sflag:s19], $0x5000  }
0x7d: {  	[sflag:s19] =	ssyncset.done $0x0  }
0x7e: {  	s26 =	simm.s32 $0x0;
	[sflag:s19] =	ssyncadd.s32 $0xFFFFB000  }
0x7f: {  	v2 =	vld [tilespmem:s26+$0x15400]  }
0x80: {  	v5 =	vld [tilespmem:s26+$0x15410]  }
0x81: {  	v4 =	vld [tilespmem:s26+$0x15420]  }
0x82: {  	v3 =	vld [tilespmem:s26+$0x15430]  }
0x83: {  	v1 =	vld [tilespmem:s26+$0x15440]  }
0x84: {  	v0 =	vld [tilespmem:s26+$0x15450];
	v6 =	vmul.f32 $8.000000000e+00, v2  }
0x85: {  	s28 =	simm.s32 $0x200;
	v5 =	vmul.f32 $8.000000000e+00, v5;
	v2 =	vld [tilespmem:s26+$0x15460]  }
.LBB2_9:
0x86: {  	s29 =	sshra.s32 s28, $0x2;
	p1 =	sne.s32 s28, $0x13E00;
	[tilespmem:s26+$0x15400] =	vst v6;
	v4 =	vmul.f32 $8.000000000e+00, v4;
	v6 =	vld [tilespmem:s26+$0x15470]  }
0x87: {  	v7 =	vld [tilespmem:s29+$0x15400];
	[tilespmem:s26+$0x15410] =	vst v5;
	v3 =	vmul.f32 $8.000000000e+00, v3  }
0x88: {  	v5 =	vld [tilespmem:s29+$0x15410];
	[tilespmem:s26+$0x15420] =	vst v4;
	v1 =	vmul.f32 $8.000000000e+00, v1  }
.Ltmp5:
0x89: {  	v4 =	vld [tilespmem:s29+$0x15420];
	[tilespmem:s26+$0x15430] =	vst v3;
	v0 =	vmul.f32 $8.000000000e+00, v0;
	(pc) =	sbr.rel @p1 .LBB2_9-.Ltmp5, $4  }
0x8a: {  	v3 =	vld [tilespmem:s29+$0x15430];
	[tilespmem:s26+$0x15440] =	vst v1;
	v2 =	vmul.f32 $8.000000000e+00, v2  }
0x8b: {  	v1 =	vld [tilespmem:s29+$0x15440];
	[tilespmem:s26+$0x15450] =	vst v0;
	v8 =	vmul.f32 $8.000000000e+00, v6  }
0x8c: {  	v6 =	vmul.f32 $8.000000000e+00, v7;
	v0 =	vld [tilespmem:s29+$0x15450];
	[tilespmem:s26+$0x15460] =	vst v2  }
0x8d: {  	s28 =	sadd.s32 $0x200, s28;
	v5 =	vmul.f32 $8.000000000e+00, v5;
	v2 =	vld [tilespmem:s29+$0x15460];
	[tilespmem:s26+$0x15470] =	vst v8;
	s26 =	smov.u32 s29  }
0x8e: {  	[tilespmem:s26+$0x15400] =	vst v6;
	v4 =	vmul.f32 $8.000000000e+00, v4;
	v61 =	vld [tilespmem:s26+$0x15470]  }
0x8f: {  	[tilespmem:s26+$0x15410] =	vst v5;
	v3 =	vmul.f32 $8.000000000e+00, v3  }
0x90: {  	s25 =	smul.u32 $0x140, s25;
	[tilespmem:s26+$0x15420] =	vst v4;
	v1 =	vmul.f32 $8.000000000e+00, v1  }
0x91: {  	[tilespmem:s26+$0x15430] =	vst v3;
	v0 =	vmul.f32 $8.000000000e+00, v0  }
0x92: {  	s25 =	sadd.s32 s4, s25;
	[tilespmem:s26+$0x15440] =	vst v1;
	v62 =	vmul.f32 $8.000000000e+00, v2  }
0x93: {  	s25 =	sshll.u32 s25, $0x3;
	[tilespmem:s26+$0x15450] =	vst v0;
	v63 =	vmul.f32 $8.000000000e+00, v61  }
0x94: {  	s25 =	sand.u32 $0x1FFFFE00, s25;
	[tilespmem:s26+$0x15460] =	vst v62  }
.Ltmp6:
0x95: {  	s25 =	sadd.s32 s2, s25;
	[tilespmem:s26+$0x15470] =	vst v63;
	(pc) =	sbr.rel @p0 .LBB2_12-.Ltmp6, $4  }
0x96: {  	[hbm4b:s25+s3] =	stream.linear.scatter [tilespmem:s16], [sflag:$0x8], $0x5000, $0x38;
	[tilespmem:$0x1A400] =	vst v63  }
0x97: {  	_ =	swait.ge [sflag:s20], $0x5000  }
0x98: {  	[sflag:s20] =	ssyncset.done $0x0  }
0x99: {  	[sflag:s20] =	ssyncadd.s32 $0xFFFFB000  }
0x9a: {  	s25 =	smul.u32 $0x1400, s24  }
.Ltmp7:
0x9b: {  	_ = 	snop;
	(pc) =	sbr.rel .LBB2_2-.Ltmp7, $4  }
0x9c: {  	_ = 	snop  }
0x9d: {  	s25 =	sshra.s32 s25, $0x2  }
0x9e: {  	s24 =	sadd.s32 $0x1, s24;
	s25 =	sadd.s32 $0x640, s25  }
0x9f: {  	[tilespmem:s12], [sflag:$0x2] =	stream.indirect.gather [hbm4b:s5+s10], $0x40, s25, s10, $0xb8;
	[tilespmem:$0x1A400] =	vst v63  }
.LBB2_13:
0xa0: {  	_ =	sfence.sel $0x180000  }
0xa1: {  	[bflag:$0x0] =	sbarrier.arrive $0xFFFF  }
0xa2: {  	p0 =	sne.s32 s0, $0x0;
	_ =	strace $0x90000047  }
0xa3: {  	s0 =	sadd.s32 @!p0 $0x100000, s1;
	[bflag:$0x2] =	sbarrier.arrive $0xFFFF  }
0xa4: {  	[sflag:s0] =	ssyncadd.tile.s32 @!p0 $0x1;
	_ =	shalt  }
.Lfunc_end2:
_tile_overlayer_lowered:
.L_overlay_start_2:
0xa5: {  	(tag) =	ssettag $0x2  }
0xa6: {  	s0 =	rddreg [dreg:$0x0];
	s2 =	stileid.u32  }
0xa7: {  	s1 =	rddreg [dreg:$0x1];
	p0 =	sne.s32 s2, $0x0  }
0xa8: {  	s3 =	rddreg [dreg:$0x2];
	[bflag:$0x3] =	sbarrier.arrive $0xFFFF;
	s2 =	simm.s32 @!p0 $0x1C09  }
0xa9: {  	[timem:s3], [sflag:s2] =	dma.local @!p0 [hbm:s0], s1  }
0xaa: {  	s0 =	simm.s32 @!p0 $0x9  }
0xab: {  	_ =	swait.ge @!p0 [sflag:s0], s1  }
0xac: {  	s1 =	ssub.s32 @!p0 $0x0, s1;
	[sflag:s0] =	ssyncset.done @!p0 $0x0  }
0xad: {  	[sflag:s0] =	ssyncadd.s32 @!p0 s1  }
0xae: {  	[bflag:$0x3] =	sbarrier.arrive $0xFFFF  }
0xaf: {  	_ =	shalt  }

// kernel: sparse-core-data-format-call.cloned.1.call-start
scs
called_computation_lowered:
.L_overlay_start_0:
0x0: {  	s2 =	sld [smem:$0x3FD9]  }
0x1: {  	s3 =	sld [smem:$0x3FFE];
	_ =	sdelay $0x1  }
0x2: {  	s1 =	srdreg.scid  }
0x3: {  	s0 =	sand.u32 $0x1, s1  }
0x4: {  	s18 =	sshll.u32 s0, $0xA;
	s2 =	sadd.s32 s3, s2  }
0x5: {  	s2 =	sadd.s32 s2, s18  }
0x6: {  	[smem:$0x3FC6] =	sst s2  }
0x7: {  	_ = 	snop  }
0x8: {  	s2 =	sld [smem:$0x3FD0];
	(tm) =	ssettm $0x1  }
0x9: {  	s19 =	sld [smem:$0x3FFB];
	_ =	sdelay $0x3  }
0xa: {  	_ =	strace s19  }
0xb: {  	s3 =	sld [smem:$0x3FFC];
	_ =	sdelay $0x3  }
0xc: {  	_ =	strace s3  }
0xd: {  	s3 =	sld [smem:$0x3FFD];
	_ =	sdelay $0x3  }
0xe: {  	_ =	strace s3  }
0xf: {  	_ =	strace $0x8FFFFFFF  }
0x10: {  	s20 =	sld [smem:$0x3FDB];
	_ =	sdelay $0x1  }
0x11: {  	s4 =	simm.s32 $_scs_section_size  }
0x12: {  	s5 =	simm.s32 $_size__tile_overlayer_lowered;
	s6 =	simm.s32 $_tile_overlayer_lowered  }
0x13: {  	s23 =	simm.s32 $0x1BFF;
	s22 =	sshll.u32 s6, $0x1;
	s3 =	sadd.s32 s4, s20  }
0x14: {  	s7 =	simm.s32 $0x0;
	s21 =	sshll.u32 s5, $0x1;
	s5 =	sadd.s32 s22, s3  }
0x15: {  	[timem:s7], [sflag:s23] =	dma.local [hbm:s5], s21  }
0x16: {  	_ =	swait.ge [sflag:s23], s21  }
0x17: {  	s4 =	ssub.s32 $0x0, s21;
	[sflag:s23] =	ssyncset.done $0x0  }
0x18: {  	[sflag:s23] =	ssyncadd.s32 s4;
	_ =	sdelay $0x1  }
0x19: {  	s24 =	simm.s32 $0x1B8B  }
0x1a: {  	_ =	swait.ge [sflag:s24], $0x1  }
0x1b: {  	[sflag:s24] =	ssyncset.done $0x0  }
0x1c: {  	s26 =	simm.s32 $0x1B8E;
	s25 =	sld [smem:$0x3FFE];
	[sflag:s24] =	ssyncadd.s32 $0xFFFFFFFF  }
0x1d: {  	s27 =	simm.s32 $execute0_lowered;
	[smem:$0x3FD2] =	sst s26  }
0x1e: {  	s5 =	sshll.u32 s27, $0x1;
	_ =	strace $0x80000049;
	[dreg:$0x1] =	wrdreg $0xFFFFFFFF  }
0x1f: {  	s28 =	simm.s32 $_size_execute0_lowered;
	s3 =	sadd.s32 s3, s5;
	[dreg:$0x0] =	wrdreg $0x0  }
0x20: {  	s5 =	sshll.u32 s28, $0x1;
	[dreg:$0x2] =	wrdreg s3  }
0x21: {  	[dreg:$0x3] =	wrdreg s5  }
0x22: {  	[dreg:$0x4] =	wrdreg $0xC0  }
0x23: {  	_ =	task [dreg:s7], $0x5FFFF  }
0x24: {  	[dreg:$0x1] =	wrdreg $0xFFFFFFFF  }
0x25: {  	[dreg:$0x0] =	wrdreg $0x60  }
0x26: {  	[dreg:$0x2] =	wrdreg s25  }
0x27: {  	[dreg:$0x3] =	wrdreg s2  }
0x28: {  	[dreg:$0x4] =	wrdreg $0x9  }
0x29: {  	_ =	task.clear_ibuf [dreg:s7], $0x5FFFF;
	_ =	strace $0x90000049  }
0x2a: {  	s29 =	simm.s32 $0x9;
	_ =	strace $0x8000004B  }
0x2b: {  	_ =	swait.ge [sflag:s29], $0x1  }
0x2c: {  	[sflag:s29] =	ssyncadd.s32 $0xFFFFFFFF  }
0x2d: {  	_ =	strace $0x9000004B  }
0x2e: {  	_ =	sfence  }
0x2f: {  	s30 =	sld [smem:$0x0];
	_ =	sdelay $0x2  }
0x30: {  	s31 =	sshll.u32 s1, $0xD;
	s1 =	sshrl.u32 s1, $0x2  }
0x31: {  	s3 =	sand.u32 $0x4000, s31;
	s1 =	sadd.s32 s1, s30  }
0x32: {  	s0 =	sor.u32 s3, s0;
	s1 =	sshll.u32 s1, $0x11  }
0x33: {  	s0 =	sor.u32 s1, s0  }
0x34: {  	s0 =	sadd.s32 $0x8F2B, s0  }
0x35: {  	[sflag:s0] =	ssyncadd.remote.s32 $0x1  }
0x36: {  	_ =	sfence.sel $0xFFFF  }
0x37: {  	[dreg:$0x0] =	wrdreg $0xFFFFFFFF;
	(pc) =	sbr.abs _section_cstart, $3  }
0x38: {  	[dreg:$0x1] =	wrdreg $0xFFFFFFFF  }
0x39: {  	_ =	task.clear_ibuf [dreg:s7], $0x2FFFF;
	_ =	strace $0x9FFFFFFF  }
0x3a: {  	(tm) =	ssettm $0x7FFFFFFF  }
0x3b: {  	_ =	shalt  }
tec
execute0_lowered:
.L_overlay_start_1:
0x0: {  	(tag) =	ssettag $0x1  }
0x1: {  	s0 =	srdreg.scid  }
0x2: {  	s1 =	sshll.u32 s0, $0x4  }
0x3: {  	s4 =	rddreg [dreg:$0x0];
	s0 =	stileid.u32;
	s1 =	sand.u32 $0x10, s1  }
0x4: {  	s2 =	rddreg [dreg:$0x1];
	s7 =	simm.s32 $0x1;
	s1 =	sor.u32 s0, s1  }
0x5: {  	s8 =	simm.s32 $0x2;
	s11 =	simm.s32 $0x0;
	s3 =	sshll.u32 s1, $0x7  }
0x6: {  	s10 =	simm.s32 $0x0;
	s4 =	sadd.s32 $0x800, s4;
	s6 =	ssub.s32 $0xC8000, s3  }
.Ltmp0:
0x7: {  	s1 =	rddreg [dreg:$0x2];
	s5 =	sand.u32 $0xF80, s6;
	(pc) =	sbr.rel .LBB1_1-.Ltmp0, $4  }
0x8: {  	_ =	strace $0x8000004A;
	s9 =	smov.u32 s3;
	p0 =	sne.s32 s5, $0x0  }
0x9: {  	s6 =	sshrl.u32 s6, $0xC;
	s5 =	simm.s32 $0x1;
	s7 =	simm.s32 @!p0 $0x0  }
0xa: {  	[sflag:s5] =	ssyncpa.u1 $0x0;
	p0 =	por $0x0, $0x0;
	s6 =	sadd.s32 s7, s6  }
0xb: {  	[sflag:s8] =	ssyncpa.u1 $0x0;
	s8 =	simm.s32 $0x640000;
	s7 =	sadd.s32 $0x1, s6  }
.LBB1_4:
0xc: {  	s14 =	sshll.u32 s11, $0x3  }
0xd: {  	s30 =	sand.u32 $0x7F, s11;
	s15 =	sand.u32 $0xFFFFFC00, s14  }
0xe: {  	s11 =	sor.u32 s30, s15  }
0xf: {  	s15 =	smulhi.u32 $0x51EB851F, s11  }
0x10: {  	s14 =	smulhi.u32 $0x51EB851F, s14  }
0x11: {  	s15 =	sshrl.u32 s15, $0x12  }
0x12: {  	s14 =	sshrl.u32 s14, $0x12;
	s15 =	smul.u32 $0xC8000, s15  }
0x13: {  	s14 =	sand.u32 $0x3F, s14  }
0x14: {  	s14 =	smul.u32 $0x19000, s14;
	s11 =	ssub.s32 s11, s15  }
0x15: {  	[tilespmem:s13+$0x810 ss:$0x81] =	vst.msk $0xffff, v2;
	s15 =	sand.u32 $0x7, s11  }
0x16: {  	[tilespmem:s13+$0x1020 ss:$0x81] =	vst.msk $0xffff, v0;
	s14 =	sadd.s32 s2, s14;
	s11 =	sshrl.u32 s11, $0x3;
	s15 =	sshll.u32 s15, $0x12  }
0x17: {  	[tilespmem:s13+$0x0 ss:$0x81] =	vst.msk $0xffff, v1;
	s11 =	sadd.s32 s11, s14;
	s31 =	sor.u32 $0x400, s15  }
0x18: {  	[hbm4b:s11+s31] =	stream.strided.scatter [tilespmem:s12], [sflag:$0x2], $0x2000, s8, s31, $0x20;
	[tilespmem:$0x8080] =	vst v63  }
.LBB1_5:
0x19: {  	s13 =	sadd.s32 $0x1000, s9  }
0x1a: {  	p2 =	sgt.s32 s13, $0xC7FFF  }
0x1b: {  	s13 =	smov.u32 @p2 s3;
	p2 =	sne.s32 s10, s7  }
.Ltmp1:
0x1c: {  	p1 =	slt.u32 s10, $0x2;
	(pc) =	sbr.rel @!p2 .LBB1_6-.Ltmp1, $4  }
0x1d: {  	s12 =	simm.s32 @!p1 $0x2  }
0x1e: {  	s14 =	sadd.s32 $0x1, s10;
	_ =	swait.ge @!p1 [sflag:s12], $0x2000  }
0x1f: {  	s11 =	smov.u32 s9;
	p0 =	por !p0, !p0;
	[sflag:s12] =	ssyncset.done @!p1 $0x0  }
0x20: {  	s10 =	smov.u32 s14;
	s9 =	smov.u32 s13;
	[sflag:s12] =	ssyncadd.s32 @!p1 $0xFFFFE000  }
.LBB1_1:
0x21: {  	p1 =	sge.u32 s10, s6  }
0x22: {  	s12 =	sand.u32 @!p1 $0x1FFFFFF, s9  }
0x23: {  	s13 =	smulhi.u32 @!p1 $0x147AE15, s12;
	_ =	sdelay $0x1  }
0x24: {  	s13 =	sshrl.u32 @!p1 s13, $0xC  }
0x25: {  	s13 =	smul.u32 @!p1 $0xC8000, s13;
	_ =	sdelay $0x1  }
0x26: {  	s31 =	sadd.s32 $0xFFFFFFFF, s10;
	s14 =	sxor.u32 @!p1 $0xFFFFFFFF, s10;
	s12 =	ssub.s32 @!p1 s12, s13  }
0x27: {  	s15 =	simm.s32 @!p1 $0x80;
	s14 =	sshll.u32 @!p1 s14, $0xD;
	s12 =	sshll.u32 @!p1 s12, $0x4  }
0x28: {  	s13 =	sand.u32 @!p1 $0x2000, s14;
	s14 =	simm.s32 @!p1 $0x40;
	s12 =	sadd.s32 @!p1 s4, s12  }
0x29: {  	[tilespmem:s13], [sflag:$0x1] =	stream.strided.gather @!p1 [hbm4b:s12+s14], $0x2000, s15, s14, $0x38;
	[tilespmem:$0x8080] =	vst v63  }
0x2a: {  	p1 =	sge.u32 s31, s6  }
.Ltmp2:
0x2b: {  	_ = 	snop;
	(pc) =	sbr.rel @p1 .LBB1_5-.Ltmp2, $1  }
0x2c: {  	_ =	sdelay $0x3  }
0x2d: {  	s12 =	simm.s32 $0x1  }
0x2e: {  	_ =	swait.ge [sflag:s5], $0x2000;
	s12 =	simm.s32 @!p0 $0x0  }
0x2f: {  	[sflag:s5] =	ssyncset.done $0x0;
	s13 =	sshll.u32 s12, $0xD  }
0x30: {  	[sflag:s5] =	ssyncadd.s32 $0xFFFFE000;
	s16 =	sor.u32 $0x20, s13  }
0x31: {  	s12 =	smul.u32 $0x8100, s12;
	v3 =	vld [tilespmem:s16+$0x10]  }
0x32: {  	s30 =	sand.u32 $0x1, s10;
	v2 =	vld [tilespmem:s16+$0xFFFFFFF0]  }
0x33: {  	s13 =	smul.u32 $0x8100, s30;
	s12 =	sshrl.u32 s12, $0x2;
	v0 =	vld [tilespmem:s16+$0x0]  }
0x34: {  	v1 =	vld [tilespmem:s16+$0xFFFFFFE0];
	s14 =	sor.u32 $0x4000, s12  }
0x35: {  	s31 =	sshrl.u32 s13, $0x2;
	s13 =	sadd.s32 $0x0, s14  }
0x36: {  	s15 =	simm.s32 $0x4;
	s16 =	sadd.s32 $0x40, s16;
	s12 =	sor.u32 $0x4000, s31;
	[tilespmem:s13+$0x1830 ss:$0x81] =	vst.msk $0xffff, v3  }
.LBB1_3:
0x37: {  	v3 =	vld [tilespmem:s16+$0x10];
	p1 =	sne.s32 s15, $0x1FC;
	[tilespmem:s13+$0x810 ss:$0x81] =	vst.msk $0xffff, v2;
	s17 =	smov.u32 s15;
	s15 =	sadd.s32 $0x4, s15  }
.Ltmp3:
0x38: {  	v2 =	vld [tilespmem:s16+$0xFFFFFFF0];
	[tilespmem:s13+$0x1020 ss:$0x81] =	vst.msk $0xffff, v0;
	(pc) =	sbr.rel @p1 .LBB1_3-.Ltmp3, $4  }
0x39: {  	v0 =	vld [tilespmem:s16+$0x0];
	[tilespmem:s13+$0x0 ss:$0x81] =	vst.msk $0xffff, v1  }
0x3a: {  	s13 =	sshra.s32 s17, $0x2;
	v1 =	vld [tilespmem:s16+$0xFFFFFFE0]  }
0x3b: {  	s13 =	sadd.s32 s13, s14  }
0x3c: {  	s16 =	sadd.s32 $0x40, s16;
	[tilespmem:s13+$0x1830 ss:$0x81] =	vst.msk $0xffff, v3  }
.Ltmp4:
0x3d: {  	_ = 	snop;
	(pc) =	sbr.rel .LBB1_4-.Ltmp4, $1  }
0x3e: {  	_ =	sdelay $0x3  }
.LBB1_6:
0x3f: {  	_ =	sfence.sel $0x180000  }
0x40: {  	s2 =	simm.s32 $0x1;
	[bflag:$0x0] =	sbarrier.arrive $0xFFFF  }
0x41: {  	s31 =	simm.s32 $0x2;
	[sflag:s2] =	ssyncpa.u1 $0x1  }
0x42: {  	[sflag:s31] =	ssyncpa.u1 $0x1  }
0x43: {  	p0 =	sne.s32 s0, $0x0;
	_ =	strace $0x9000004A  }
0x44: {  	s0 =	sadd.s32 @!p0 $0x100000, s1;
	[bflag:$0x2] =	sbarrier.arrive $0xFFFF  }
0x45: {  	[sflag:s0] =	ssyncadd.tile.s32 @!p0 $0x1;
	_ =	shalt  }
.Lfunc_end1:
_tile_overlayer_lowered:
.L_overlay_start_2:
0x46: {  	(tag) =	ssettag $0x2  }
0x47: {  	s0 =	rddreg [dreg:$0x0];
	s2 =	stileid.u32  }
0x48: {  	s1 =	rddreg [dreg:$0x1];
	p0 =	sne.s32 s2, $0x0  }
0x49: {  	s3 =	rddreg [dreg:$0x2];
	[bflag:$0x3] =	sbarrier.arrive $0xFFFF;
	s2 =	simm.s32 @!p0 $0x1C01  }
0x4a: {  	[timem:s3], [sflag:s2] =	dma.local @!p0 [hbm:s0], s1  }
0x4b: {  	s0 =	simm.s32 @!p0 $0x1  }
0x4c: {  	_ =	swait.ge @!p0 [sflag:s0], s1  }
0x4d: {  	s1 =	ssub.s32 @!p0 $0x0, s1;
	[sflag:s0] =	ssyncset.done @!p0 $0x0  }
0x4e: {  	[sflag:s0] =	ssyncadd.s32 @!p0 s1  }
0x4f: {  	[bflag:$0x3] =	sbarrier.arrive $0xFFFF  }
0x50: {  	_ =	shalt  }

</sc_bundles>
